<compile_context>
chip_gen: v7x
topology: tpu7x:2x2x1
jax: 0.10.2.dev20260603
libtpu: 0.0.44.dev20260713+nightly
codegen_flags: <defaults>
</compile_context>

<pallas_src>
import functools

import jax
import jax.numpy as jnp
from jax import lax
from jax.experimental import pallas as pl
from jax.experimental.pallas import tpu as pltpu
from jax.experimental.pallas import tpu_sc as plsc

_F32 = jnp.float32
_NC = 2
_NS = 16
_NW = _NC * _NS
_CH = 128



def _prep_body(x_ref, wmsg_ref, wa_ref, wb_ref, w1_ref, ba_ref, bb_ref,
               b1_ref, xm_ref, wfa_ref, wfb_ref, bf_ref):
    xm_ref[...] = jnp.dot(x_ref[...], wmsg_ref[...],
                          preferred_element_type=_F32)
    w1a = w1_ref[256:512, :]
    w1b = w1_ref[512:768, :]
    wfa_ref[...] = jnp.dot(wa_ref[...], w1a, preferred_element_type=_F32)
    wfb_ref[...] = jnp.dot(wb_ref[...], w1b, preferred_element_type=_F32)
    bf_ref[...] = (b1_ref[...]
                   + jnp.dot(ba_ref[...], w1a, preferred_element_type=_F32)
                   + jnp.dot(bb_ref[...], w1b, preferred_element_type=_F32))


def _prep(x, W_msg, Wa, Wb, W1, ba, bb, b1):
    n, d = x.shape
    k = Wa.shape[0]
    return pl.pallas_call(
        _prep_body,
        out_shape=(
            jax.ShapeDtypeStruct((n, d), _F32),
            jax.ShapeDtypeStruct((k, 128), _F32),
            jax.ShapeDtypeStruct((k, 128), _F32),
            jax.ShapeDtypeStruct((1, 128), _F32),
        ),
    )(x, W_msg, Wa, Wb, W1, ba.reshape(1, -1), bb.reshape(1, -1),
      b1.reshape(1, -1))


def _mid_body(agg_ref, wupd_ref, bupd_ref, w1_ref, pa_ref, pb_ref):
    s = agg_ref[0] + agg_ref[1]
    r = jnp.maximum(
        jnp.dot(s, wupd_ref[...], preferred_element_type=_F32)
        + bupd_ref[...], 0.0)
    pa_ref[...] = jnp.dot(r, w1_ref[0:128, :], preferred_element_type=_F32)
    pb_ref[...] = jnp.dot(r, w1_ref[128:256, :], preferred_element_type=_F32)


def _mid(agg2, W_upd, b_upd, W1):
    n = agg2.shape[1]
    return pl.pallas_call(
        _mid_body,
        out_shape=(
            jax.ShapeDtypeStruct((n, 128), _F32),
            jax.ShapeDtypeStruct((n, 128), _F32),
        ),
    )(agg2, W_upd, b_upd.reshape(1, -1), W1)


def _head_body(ga_ref, gb_ref, ea_ref, eb_ref, wfa_ref, wfb_ref, bf_ref,
               w2_ref, b2_ref, out_ref):
    ep = (jnp.dot(ea_ref[...], wfa_ref[...], preferred_element_type=_F32)
          + jnp.dot(eb_ref[...], wfb_ref[...], preferred_element_type=_F32)
          + bf_ref[...])
    h = jnp.maximum(ga_ref[...] + gb_ref[...] + ep, 0.0)
    out_ref[...] = (jnp.dot(h, w2_ref[...], preferred_element_type=_F32)
                    + b2_ref[...])


def _head(GA, GB, ESMa, ESMb, WFa, WFb, bfold, W2, b2):
    b, k = ESMa.shape
    ncls = W2.shape[1]
    bm = 1024
    grid = (b // bm,)
    return pl.pallas_call(
        _head_body,
        grid=grid,
        in_specs=[
            pl.BlockSpec((bm, 128), lambda i: (i, 0)),
            pl.BlockSpec((bm, 128), lambda i: (i, 0)),
            pl.BlockSpec((bm, k), lambda i: (i, 0)),
            pl.BlockSpec((bm, k), lambda i: (i, 0)),
            pl.BlockSpec((k, 128), lambda i: (0, 0)),
            pl.BlockSpec((k, 128), lambda i: (0, 0)),
            pl.BlockSpec((1, 128), lambda i: (0, 0)),
            pl.BlockSpec((128, ncls), lambda i: (0, 0)),
            pl.BlockSpec((1, ncls), lambda i: (0, 0)),
        ],
        out_specs=pl.BlockSpec((bm, ncls), lambda i: (i, 0)),
        out_shape=jax.ShapeDtypeStruct((b, ncls), _F32),
    )(GA, GB, ESMa, ESMb, WFa, WFb, bfold, W2, b2.reshape(1, -1))



_SG = 20


def _edge_agg(xm, src4d, dst4d, zeros_nd):
    npad = zeros_nd.shape[0]
    nstripe = src4d.shape[1]
    rpt = npad // _NS
    mesh = plsc.VectorSubcoreMesh(core_axis_name="c", subcore_axis_name="s",
                                  num_cores=_NC, num_subcores=_NS)

    @functools.partial(
        pl.kernel,
        out_type=jax.ShapeDtypeStruct((_NC, npad, 128), _F32),
        mesh=mesh,
        scratch_types=[
            pltpu.VMEM((2, _SG, _CH), jnp.int32),
            pltpu.VMEM((2, _SG, _CH), jnp.int32),
            pltpu.VMEM((_CH, 128), _F32),
            pltpu.VMEM((_CH, 128), _F32),
            pltpu.SemaphoreType.DMA,
            pltpu.SemaphoreType.DMA,
            pltpu.SemaphoreType.DMA,
            pltpu.VMEM_SHARED((npad, 128), _F32),
        ],
    )
    def k(xm_hbm, src_hbm, dst_hbm, zero_hbm, agg_hbm,
          srcv, dstv, rows0, rows1, gsem0, gsem1, isem, acc):
        c = lax.axis_index("c")
        s = lax.axis_index("s")
        w = c * _NS + s
        pltpu.sync_copy(zero_hbm.at[pl.ds(s * rpt, rpt)],
                        acc.at[pl.ds(s * rpt, rpt)])
        plsc.subcore_barrier()
        pltpu.sync_copy(src_hbm.at[w].at[0], srcv.at[0])
        pltpu.sync_copy(dst_hbm.at[w].at[0], dstv.at[0])

        def stripe(t, carry):
            slot = lax.rem(t, 2)
            nxt = lax.rem(t + 1, 2)
            sv = srcv.at[slot]
            dv = dstv.at[slot]

            @pl.when(t + 1 < nstripe)
            def _():
                pltpu.async_copy(src_hbm.at[w].at[t + 1], srcv.at[nxt], isem)
                pltpu.async_copy(dst_hbm.at[w].at[t + 1], dstv.at[nxt], isem)

            pltpu.async_copy(xm_hbm.at[sv.at[0]], rows0, gsem0)
            pltpu.async_copy(xm_hbm.at[sv.at[1]], rows1, gsem1)

            def pair(p, carry2):
                j0 = 2 * p
                pltpu.make_async_copy(xm_hbm.at[sv.at[j0]], rows0,
                                      gsem0).wait()
                pltpu.sync_copy(rows0, acc.at[dv.at[j0]], add=True)

                @pl.when(j0 + 2 < _SG)
                def _():
                    pltpu.async_copy(xm_hbm.at[sv.at[j0 + 2]], rows0, gsem0)

                pltpu.make_async_copy(xm_hbm.at[sv.at[j0 + 1]], rows1,
                                      gsem1).wait()
                pltpu.sync_copy(rows1, acc.at[dv.at[j0 + 1]], add=True)

                @pl.when(j0 + 3 < _SG)
                def _():
                    pltpu.async_copy(xm_hbm.at[sv.at[j0 + 3]], rows1, gsem1)

                return carry2

            lax.fori_loop(0, _SG // 2, pair, 0)

            @pl.when(t + 1 < nstripe)
            def _():
                pltpu.make_async_copy(src_hbm.at[w].at[t + 1], srcv.at[nxt],
                                      isem).wait()
                pltpu.make_async_copy(dst_hbm.at[w].at[t + 1], dstv.at[nxt],
                                      isem).wait()

            return carry

        lax.fori_loop(0, nstripe, stripe, 0)
        plsc.subcore_barrier()
        pltpu.sync_copy(acc.at[pl.ds(s * rpt, rpt)],
                        agg_hbm.at[c].at[pl.ds(s * rpt, rpt)])

    return k(xm, src4d, dst4d, zeros_nd)


def _gather_pred(Pa, Pb, ia2d, ib2d):
    b = ia2d.shape[0] * ia2d.shape[1] * ia2d.shape[2]
    nchunk_w = ia2d.shape[1]
    gch = ia2d.shape[2]
    mesh = plsc.VectorSubcoreMesh(core_axis_name="c", subcore_axis_name="s",
                                  num_cores=_NC, num_subcores=_NS)

    @functools.partial(
        pl.kernel,
        out_type=(jax.ShapeDtypeStruct((b, 128), _F32),
                  jax.ShapeDtypeStruct((b, 128), _F32)),
        mesh=mesh,
        scratch_types=[
            pltpu.VMEM((nchunk_w, gch), jnp.int32),
            pltpu.VMEM((nchunk_w, gch), jnp.int32),
            pltpu.VMEM((2, gch, 128), _F32),
            pltpu.VMEM((2, gch, 128), _F32),
            pltpu.SemaphoreType.DMA,
            pltpu.SemaphoreType.DMA,
        ],
    )
    def k(pa_hbm, pb_hbm, ia_hbm, ib_hbm, ga_hbm, gb_hbm,
          iav, ibv, bufa, bufb, sema, semb):
        c = lax.axis_index("c")
        s = lax.axis_index("s")
        w = c * _NS + s
        base = w * nchunk_w
        pltpu.sync_copy(ia_hbm.at[w], iav)
        pltpu.sync_copy(ib_hbm.at[w], ibv)

        pltpu.async_copy(pa_hbm.at[iav.at[0]], bufa.at[0], sema)
        pltpu.async_copy(pb_hbm.at[ibv.at[0]], bufb.at[0], semb)

        def body(j, carry):
            slot = lax.rem(j, 2)
            nxt = lax.rem(j + 1, 2)
            pltpu.make_async_copy(pa_hbm.at[iav.at[j]], bufa.at[slot],
                                  sema).wait()
            pltpu.make_async_copy(pb_hbm.at[ibv.at[j]], bufb.at[slot],
                                  semb).wait()

            @pl.when(j + 1 < nchunk_w)
            def _():
                pltpu.async_copy(pa_hbm.at[iav.at[j + 1]], bufa.at[nxt], sema)
                pltpu.async_copy(pb_hbm.at[ibv.at[j + 1]], bufb.at[nxt], semb)

            row0 = (base + j) * gch
            pltpu.sync_copy(bufa.at[slot], ga_hbm.at[pl.ds(row0, gch)])
            pltpu.sync_copy(bufb.at[slot], gb_hbm.at[pl.ds(row0, gch)])
            return carry

        lax.fori_loop(0, nchunk_w, body, 0)

    return k(Pa, Pb, ia2d, ib2d)



def kernel(x, edge_index, edge_a, edge_b, ESM_nodea_emb, ESM_nodeb_emb,
           W_msg, W_upd, b_upd, Wa, ba, Wb, bb, W1, b1, W2, b2):
    n = x.shape[0]
    e = edge_index.shape[1]
    bsz = edge_a.shape[0]

    xm, WFa, WFb, bfold = _prep(x, W_msg, Wa, Wb, W1, ba, bb, b1)

    npad = ((n + 8 * _NS - 1) // (8 * _NS)) * (8 * _NS)
    quant = _NW * _SG * _CH
    epad = ((e + quant - 1) // quant) * quant
    src = edge_index[0].astype(jnp.int32)
    dst = edge_index[1].astype(jnp.int32)
    if epad != e:
        fill = jnp.arange(epad - e, dtype=jnp.int32)
        src = jnp.concatenate([src, fill % n])
        dst = jnp.concatenate([dst, n + fill % (npad - n)])
    nstripe = epad // (_NW * _SG * _CH)
    src4d = src.reshape(_NW, nstripe, _SG, _CH)
    dst4d = dst.reshape(_NW, nstripe, _SG, _CH)
    zeros_nd = jnp.zeros((npad, 128), _F32)

    agg2 = _edge_agg(xm, src4d, dst4d, zeros_nd)

    Pa, Pb = _mid(agg2, W_upd, b_upd, W1)

    gch = 128
    ia3d = edge_a.astype(jnp.int32).reshape(_NW, bsz // (_NW * gch), gch)
    ib3d = edge_b.astype(jnp.int32).reshape(_NW, bsz // (_NW * gch), gch)
    GA, GB = _gather_pred(Pa, Pb, ia3d, ib3d)

    return _head(GA, GB, ESM_nodea_emb, ESM_nodeb_emb, WFa, WFb,
                 bfold, W2, b2)

# --- scband reference (transcript-rebuilt; emitter-appended) ---
"""Pipeline reference for scband-hgt-esm-4-classification-90572270338456 (READ-ONLY COPY).

The authoritative reference and input builder live on the scoring server;
editing this copy changes nothing except your own understanding.
"""

import jax, jax.numpy as jnp
import numpy as np

N = 10000
E = 320000
D = 128
B = 16384
ESM_D = 1280
NUM_CLASSES = 2

def setup_inputs(seed: int = 0) -> dict:
    key = jax.random.key(seed)
    ks = jax.random.split(key, 20)
    x = jax.random.normal(ks[0], (N, D), dtype=jnp.float32)
    edge_index = jax.random.randint(ks[1], (2, E), 0, N)
    edge_a = jax.random.randint(ks[2], (B,), 0, N)
    edge_b = jax.random.randint(ks[3], (B,), 0, N)
    ESM_nodea_emb = jax.random.normal(ks[4], (B, ESM_D), dtype=jnp.float32)
    ESM_nodeb_emb = jax.random.normal(ks[5], (B, ESM_D), dtype=jnp.float32)
    # HGT (simplified single-relation message passing) params: 128 -> 128
    W_msg = jax.random.normal(ks[6], (D, D), dtype=jnp.float32) * 0.02
    W_upd = jax.random.normal(ks[7], (D, D), dtype=jnp.float32) * 0.02
    b_upd = jnp.zeros((D,), dtype=jnp.float32)
    # esm_linear_a / esm_linear_b: 1280 -> 256
    Wa = jax.random.normal(ks[8], (ESM_D, 256), dtype=jnp.float32) * 0.02
    ba = jnp.zeros((256,), dtype=jnp.float32)
    Wb = jax.random.normal(ks[9], (ESM_D, 256), dtype=jnp.float32) * 0.02
    bb = jnp.zeros((256,), dtype=jnp.float32)
    # mlp: Linear(768,128) -> ReLU -> Linear(128,num_classes)
    W1 = jax.random.normal(ks[10], (768, 128), dtype=jnp.float32) * 0.02
    b1 = jnp.zeros((128,), dtype=jnp.float32)
    W2 = jax.random.normal(ks[11], (128, NUM_CLASSES), dtype=jnp.float32) * 0.02
    b2 = jnp.zeros((NUM_CLASSES,), dtype=jnp.float32)
    return {"x": x, "edge_index": edge_index, "edge_a": edge_a, "edge_b": edge_b,
            "ESM_nodea_emb": ESM_nodea_emb, "ESM_nodeb_emb": ESM_nodeb_emb,
            "W_msg": W_msg, "W_upd": W_upd, "b_upd": b_upd,
            "Wa": Wa, "ba": ba, "Wb": Wb, "bb": bb,
            "W1": W1, "b1": b1, "W2": W2, "b2": b2}

def reference(x, edge_index, edge_a, edge_b, ESM_nodea_emb, ESM_nodeb_emb,
              W_msg, W_upd, b_upd, Wa, ba, Wb, bb, W1, b1, W2, b2):
    # hgt(x_dict, edge_index_dict) -> node_rep[node_type]  (simplified to one relation)
    src = edge_index[0]
    dst = edge_index[1]
    msgs = jnp.take(x, src, axis=0) @ W_msg              # gather + linear
    agg = jax.ops.segment_sum(msgs, dst, num_segments=x.shape[0])  # scatter-add
    node_rep = jax.nn.relu(agg @ W_upd + b_upd)          # [N, 128]
    # node_rep[edge_a.values], node_rep[edge_b.values]
    HGT_nodea_emb = jnp.take(node_rep, edge_a, axis=0)   # [B, 128]
    HGT_nodeb_emb = jnp.take(node_rep, edge_b, axis=0)   # [B, 128]
    # ESM linears
    ea = ESM_nodea_emb @ Wa + ba                         # [B, 256]
    eb = ESM_nodeb_emb @ Wb + bb                         # [B, 256]
    edge_embedding = jnp.concatenate([HGT_nodea_emb, HGT_nodeb_emb, ea, eb], axis=1)  # [B, 768]
    h = jax.nn.relu(edge_embedding @ W1 + b1)
    pred = h @ W2 + b2                                   # [B, num_classes]
    return pred

if __name__ == "__main__":
    import jax
    _d = setup_inputs()
    print(jax.jit(kernel)(*tuple(_d.values())))

</pallas_src>

<mosaic_0001>
#map = affine_map<(d0, d1) -> (0, 0)>
#map1 = affine_map<(d0, d1) -> (0, 0, 0, 0)>
#map2 = affine_map<(d0, d1) -> (0, 0, 0)>
module attributes {stable_mosaic.version = 14 : i64} {
  func.func @k(%arg0: i32, %arg1: i32, %arg2: memref<10000x128xf32, #tpu.memory_space<hbm>>, %arg3: memref<32x4x20x128xi32, #tpu.memory_space<hbm>>, %arg4: memref<32x4x20x128xi32, #tpu.memory_space<hbm>>, %arg5: memref<10112x128xf32, #tpu.memory_space<hbm>>, %arg6: memref<2x10112x128xf32, #tpu.memory_space<hbm>>, %arg7: memref<2x20x128xi32, #tpu.memory_space<vmem>>, %arg8: memref<2x20x128xi32, #tpu.memory_space<vmem>>, %arg9: memref<128x128xf32, #tpu.memory_space<vmem>>, %arg10: memref<128x128xf32, #tpu.memory_space<vmem>>, %arg11: memref<!tpu.dma_semaphore, #tpu.memory_space<semaphore_mem>>, %arg12: memref<!tpu.dma_semaphore, #tpu.memory_space<semaphore_mem>>, %arg13: memref<!tpu.dma_semaphore, #tpu.memory_space<semaphore_mem>>, %arg14: memref<10112x128xf32, #tpu.memory_space<vmem_shared>>) attributes {dimension_semantics = [#tpu.dimension_semantics<core_parallel>, #tpu.dimension_semantics<subcore_parallel>], iteration_bounds = array<i64: 2, 16>, scalar_prefetch = 0 : i64, scratch_operands = 8 : i64, tpu.core_type = #tpu.core_type<sc_vector_subcore>, window_params = [{transform_indices = #map}, {transform_indices = #map1}, {transform_indices = #map1}, {transform_indices = #map}, {transform_indices = #map2}]} {
    %mul3A = arith.constant 16 : i32
    %mul3A_0 = arith.muli %arg0, %mul3A : i32
    %add3A = arith.addi %mul3A_0, %arg1 : i32
    %mul3A_1 = arith.constant 632 : i32
    %mul3A_2 = arith.muli %arg1, %mul3A_1 : i32
    %mul3A_3 = arith.constant 632 : i32
    %mul3A_4 = arith.muli %arg1, %mul3A_3 : i32
    "tpu.region"() ({
      %run_scoped3A_18 = tpu.sem_alloc : memref<!tpu.dma_semaphore, #tpu.memory_space<semaphore_mem>>
      %dma_start3A = arith.constant 0 : i32
      %dma_start3A_19 = tpu.memref_slice %arg14[%mul3A_4, %dma_start3A] : memref<10112x128xf32, #tpu.memory_space<vmem_shared>> -> memref<632x128xf32, #tpu.memory_space<vmem_shared>>
      %dma_start3A_20 = arith.constant 0 : i32
      %dma_start3A_21 = tpu.memref_slice %arg5[%mul3A_2, %dma_start3A_20] : memref<10112x128xf32, #tpu.memory_space<hbm>> -> memref<632x128xf32, #tpu.memory_space<hbm>>
      tpu.enqueue_dma source(%dma_start3A_21 : memref<632x128xf32, #tpu.memory_space<hbm>>) target(%dma_start3A_19 : memref<632x128xf32, #tpu.memory_space<vmem_shared>>) target_semaphore(%run_scoped3A_18 : memref<!tpu.dma_semaphore, #tpu.memory_space<semaphore_mem>>)
      %dma_wait3A = arith.constant 0 : i32
      %dma_wait3A_22 = tpu.memref_slice %arg14[%mul3A_4, %dma_wait3A] : memref<10112x128xf32, #tpu.memory_space<vmem_shared>> -> memref<632x128xf32, #tpu.memory_space<vmem_shared>>
      %dma_wait3A_23 = arith.constant 0 : i32
      %dma_wait3A_24 = tpu.memref_slice %arg5[%mul3A_2, %dma_wait3A_23] : memref<10112x128xf32, #tpu.memory_space<hbm>> -> memref<632x128xf32, #tpu.memory_space<hbm>>
      tpu.wait_dma2 semaphore(%run_scoped3A_18 : memref<!tpu.dma_semaphore, #tpu.memory_space<semaphore_mem>>) src(%dma_wait3A_24 : memref<632x128xf32, #tpu.memory_space<hbm>>) dst(%dma_wait3A_22 : memref<632x128xf32, #tpu.memory_space<vmem_shared>>)
      tpu.yield
    }) : () -> ()
    %barrier3A = arith.constant 0 : index
    tpu.barrier barrier_id(%barrier3A)
    %run_scoped3A = arith.constant 0 : i32
    %run_scoped3A_5 = arith.constant 0 : i32
    "tpu.region"() ({
      %run_scoped3A_18 = tpu.sem_alloc : memref<!tpu.dma_semaphore, #tpu.memory_space<semaphore_mem>>
      %dma_start3A = arith.constant 0 : i32
      %dma_start3A_19 = arith.constant 0 : i32
      %dma_start3A_20 = tpu.memref_slice %arg7[%run_scoped3A_5, %dma_start3A, %dma_start3A_19] : memref<2x20x128xi32, #tpu.memory_space<vmem>> -> memref<1x20x128xi32, #tpu.memory_space<vmem>>
      %dma_start3A_21 = tpu.memref_squeeze %dma_start3A_20 : memref<1x20x128xi32, #tpu.memory_space<vmem>> -> memref<20x128xi32, #tpu.memory_space<vmem>>
      %dma_start3A_22 = arith.constant 0 : i32
      %dma_start3A_23 = arith.constant 0 : i32
      %dma_start3A_24 = arith.constant 0 : i32
      %dma_start3A_25 = tpu.memref_slice %arg3[%add3A, %dma_start3A_22, %dma_start3A_23, %dma_start3A_24] : memref<32x4x20x128xi32, #tpu.memory_space<hbm>> -> memref<1x4x20x128xi32, #tpu.memory_space<hbm>>
      %dma_start3A_26 = tpu.memref_squeeze %dma_start3A_25 : memref<1x4x20x128xi32, #tpu.memory_space<hbm>> -> memref<4x20x128xi32, #tpu.memory_space<hbm>>
      %dma_start3A_27 = arith.constant 0 : i32
      %dma_start3A_28 = arith.constant 0 : i32
      %dma_start3A_29 = tpu.memref_slice %dma_start3A_26[%run_scoped3A, %dma_start3A_27, %dma_start3A_28] : memref<4x20x128xi32, #tpu.memory_space<hbm>> -> memref<1x20x128xi32, #tpu.memory_space<hbm>>
      %dma_start3A_30 = tpu.memref_squeeze %dma_start3A_29 : memref<1x20x128xi32, #tpu.memory_space<hbm>> -> memref<20x128xi32, #tpu.memory_space<hbm>>
      %dma_start3A_31 = arith.constant 0 : i32
      %dma_start3A_32 = arith.constant 0 : i32
      %dma_start3A_33 = tpu.memref_slice %arg7[%run_scoped3A_5, %dma_start3A_31, %dma_start3A_32] : memref<2x20x128xi32, #tpu.memory_space<vmem>> -> memref<1x20x128xi32, #tpu.memory_space<vmem>>
      %dma_start3A_34 = tpu.memref_squeeze %dma_start3A_33 : memref<1x20x128xi32, #tpu.memory_space<vmem>> -> memref<20x128xi32, #tpu.memory_space<vmem>>
      %dma_start3A_35 = arith.constant 0 : i32
      %dma_start3A_36 = arith.constant 0 : i32
      %dma_start3A_37 = arith.constant 0 : i32
      %dma_start3A_38 = tpu.memref_slice %arg3[%add3A, %dma_start3A_35, %dma_start3A_36, %dma_start3A_37] : memref<32x4x20x128xi32, #tpu.memory_space<hbm>> -> memref<1x4x20x128xi32, #tpu.memory_space<hbm>>
      %dma_start3A_39 = tpu.memref_squeeze %dma_start3A_38 : memref<1x4x20x128xi32, #tpu.memory_space<hbm>> -> memref<4x20x128xi32, #tpu.memory_space<hbm>>
      %dma_start3A_40 = arith.constant 0 : i32
      %dma_start3A_41 = arith.constant 0 : i32
      %dma_start3A_42 = tpu.memref_slice %dma_start3A_39[%run_scoped3A, %dma_start3A_40, %dma_start3A_41] : memref<4x20x128xi32, #tpu.memory_space<hbm>> -> memref<1x20x128xi32, #tpu.memory_space<hbm>>
      %dma_start3A_43 = tpu.memref_squeeze %dma_start3A_42 : memref<1x20x128xi32, #tpu.memory_space<hbm>> -> memref<20x128xi32, #tpu.memory_space<hbm>>
      tpu.enqueue_dma source(%dma_start3A_43 : memref<20x128xi32, #tpu.memory_space<hbm>>) target(%dma_start3A_34 : memref<20x128xi32, #tpu.memory_space<vmem>>) target_semaphore(%run_scoped3A_18 : memref<!tpu.dma_semaphore, #tpu.memory_space<semaphore_mem>>)
      %dma_wait3A = arith.constant 0 : i32
      %dma_wait3A_44 = arith.constant 0 : i32
      %dma_wait3A_45 = tpu.memref_slice %arg7[%run_scoped3A_5, %dma_wait3A, %dma_wait3A_44] : memref<2x20x128xi32, #tpu.memory_space<vmem>> -> memref<1x20x128xi32, #tpu.memory_space<vmem>>
      %dma_wait3A_46 = tpu.memref_squeeze %dma_wait3A_45 : memref<1x20x128xi32, #tpu.memory_space<vmem>> -> memref<20x128xi32, #tpu.memory_space<vmem>>
      %dma_wait3A_47 = arith.constant 0 : i32
      %dma_wait3A_48 = arith.constant 0 : i32
      %dma_wait3A_49 = arith.constant 0 : i32
      %dma_wait3A_50 = tpu.memref_slice %arg3[%add3A, %dma_wait3A_47, %dma_wait3A_48, %dma_wait3A_49] : memref<32x4x20x128xi32, #tpu.memory_space<hbm>> -> memref<1x4x20x128xi32, #tpu.memory_space<hbm>>
      %dma_wait3A_51 = tpu.memref_squeeze %dma_wait3A_50 : memref<1x4x20x128xi32, #tpu.memory_space<hbm>> -> memref<4x20x128xi32, #tpu.memory_space<hbm>>
      %dma_wait3A_52 = arith.constant 0 : i32
      %dma_wait3A_53 = arith.constant 0 : i32
      %dma_wait3A_54 = tpu.memref_slice %dma_wait3A_51[%run_scoped3A, %dma_wait3A_52, %dma_wait3A_53] : memref<4x20x128xi32, #tpu.memory_space<hbm>> -> memref<1x20x128xi32, #tpu.memory_space<hbm>>
      %dma_wait3A_55 = tpu.memref_squeeze %dma_wait3A_54 : memref<1x20x128xi32, #tpu.memory_space<hbm>> -> memref<20x128xi32, #tpu.memory_space<hbm>>
      %dma_wait3A_56 = arith.constant 0 : i32
      %dma_wait3A_57 = arith.constant 0 : i32
      %dma_wait3A_58 = tpu.memref_slice %arg7[%run_scoped3A_5, %dma_wait3A_56, %dma_wait3A_57] : memref<2x20x128xi32, #tpu.memory_space<vmem>> -> memref<1x20x128xi32, #tpu.memory_space<vmem>>
      %dma_wait3A_59 = tpu.memref_squeeze %dma_wait3A_58 : memref<1x20x128xi32, #tpu.memory_space<vmem>> -> memref<20x128xi32, #tpu.memory_space<vmem>>
      %dma_wait3A_60 = arith.constant 0 : i32
      %dma_wait3A_61 = arith.constant 0 : i32
      %dma_wait3A_62 = arith.constant 0 : i32
      %dma_wait3A_63 = tpu.memref_slice %arg3[%add3A, %dma_wait3A_60, %dma_wait3A_61, %dma_wait3A_62] : memref<32x4x20x128xi32, #tpu.memory_space<hbm>> -> memref<1x4x20x128xi32, #tpu.memory_space<hbm>>
      %dma_wait3A_64 = tpu.memref_squeeze %dma_wait3A_63 : memref<1x4x20x128xi32, #tpu.memory_space<hbm>> -> memref<4x20x128xi32, #tpu.memory_space<hbm>>
      %dma_wait3A_65 = arith.constant 0 : i32
      %dma_wait3A_66 = arith.constant 0 : i32
      %dma_wait3A_67 = tpu.memref_slice %dma_wait3A_64[%run_scoped3A, %dma_wait3A_65, %dma_wait3A_66] : memref<4x20x128xi32, #tpu.memory_space<hbm>> -> memref<1x20x128xi32, #tpu.memory_space<hbm>>
      %dma_wait3A_68 = tpu.memref_squeeze %dma_wait3A_67 : memref<1x20x128xi32, #tpu.memory_space<hbm>> -> memref<20x128xi32, #tpu.memory_space<hbm>>
      tpu.wait_dma2 semaphore(%run_scoped3A_18 : memref<!tpu.dma_semaphore, #tpu.memory_space<semaphore_mem>>) src(%dma_wait3A_68 : memref<20x128xi32, #tpu.memory_space<hbm>>) dst(%dma_wait3A_59 : memref<20x128xi32, #tpu.memory_space<vmem>>)
      tpu.yield
    }) : () -> ()
    %run_scoped3A_6 = arith.constant 0 : i32
    %run_scoped3A_7 = arith.constant 0 : i32
    "tpu.region"() ({
      %run_scoped3A_18 = tpu.sem_alloc : memref<!tpu.dma_semaphore, #tpu.memory_space<semaphore_mem>>
      %dma_start3A = arith.constant 0 : i32
      %dma_start3A_19 = arith.constant 0 : i32
      %dma_start3A_20 = tpu.memref_slice %arg8[%run_scoped3A_7, %dma_start3A, %dma_start3A_19] : memref<2x20x128xi32, #tpu.memory_space<vmem>> -> memref<1x20x128xi32, #tpu.memory_space<vmem>>
      %dma_start3A_21 = tpu.memref_squeeze %dma_start3A_20 : memref<1x20x128xi32, #tpu.memory_space<vmem>> -> memref<20x128xi32, #tpu.memory_space<vmem>>
      %dma_start3A_22 = arith.constant 0 : i32
      %dma_start3A_23 = arith.constant 0 : i32
      %dma_start3A_24 = arith.constant 0 : i32
      %dma_start3A_25 = tpu.memref_slice %arg4[%add3A, %dma_start3A_22, %dma_start3A_23, %dma_start3A_24] : memref<32x4x20x128xi32, #tpu.memory_space<hbm>> -> memref<1x4x20x128xi32, #tpu.memory_space<hbm>>
      %dma_start3A_26 = tpu.memref_squeeze %dma_start3A_25 : memref<1x4x20x128xi32, #tpu.memory_space<hbm>> -> memref<4x20x128xi32, #tpu.memory_space<hbm>>
      %dma_start3A_27 = arith.constant 0 : i32
      %dma_start3A_28 = arith.constant 0 : i32
      %dma_start3A_29 = tpu.memref_slice %dma_start3A_26[%run_scoped3A_6, %dma_start3A_27, %dma_start3A_28] : memref<4x20x128xi32, #tpu.memory_space<hbm>> -> memref<1x20x128xi32, #tpu.memory_space<hbm>>
      %dma_start3A_30 = tpu.memref_squeeze %dma_start3A_29 : memref<1x20x128xi32, #tpu.memory_space<hbm>> -> memref<20x128xi32, #tpu.memory_space<hbm>>
      %dma_start3A_31 = arith.constant 0 : i32
      %dma_start3A_32 = arith.constant 0 : i32
      %dma_start3A_33 = tpu.memref_slice %arg8[%run_scoped3A_7, %dma_start3A_31, %dma_start3A_32] : memref<2x20x128xi32, #tpu.memory_space<vmem>> -> memref<1x20x128xi32, #tpu.memory_space<vmem>>
      %dma_start3A_34 = tpu.memref_squeeze %dma_start3A_33 : memref<1x20x128xi32, #tpu.memory_space<vmem>> -> memref<20x128xi32, #tpu.memory_space<vmem>>
      %dma_start3A_35 = arith.constant 0 : i32
      %dma_start3A_36 = arith.constant 0 : i32
      %dma_start3A_37 = arith.constant 0 : i32
      %dma_start3A_38 = tpu.memref_slice %arg4[%add3A, %dma_start3A_35, %dma_start3A_36, %dma_start3A_37] : memref<32x4x20x128xi32, #tpu.memory_space<hbm>> -> memref<1x4x20x128xi32, #tpu.memory_space<hbm>>
      %dma_start3A_39 = tpu.memref_squeeze %dma_start3A_38 : memref<1x4x20x128xi32, #tpu.memory_space<hbm>> -> memref<4x20x128xi32, #tpu.memory_space<hbm>>
      %dma_start3A_40 = arith.constant 0 : i32
      %dma_start3A_41 = arith.constant 0 : i32
      %dma_start3A_42 = tpu.memref_slice %dma_start3A_39[%run_scoped3A_6, %dma_start3A_40, %dma_start3A_41] : memref<4x20x128xi32, #tpu.memory_space<hbm>> -> memref<1x20x128xi32, #tpu.memory_space<hbm>>
      %dma_start3A_43 = tpu.memref_squeeze %dma_start3A_42 : memref<1x20x128xi32, #tpu.memory_space<hbm>> -> memref<20x128xi32, #tpu.memory_space<hbm>>
      tpu.enqueue_dma source(%dma_start3A_43 : memref<20x128xi32, #tpu.memory_space<hbm>>) target(%dma_start3A_34 : memref<20x128xi32, #tpu.memory_space<vmem>>) target_semaphore(%run_scoped3A_18 : memref<!tpu.dma_semaphore, #tpu.memory_space<semaphore_mem>>)
      %dma_wait3A = arith.constant 0 : i32
      %dma_wait3A_44 = arith.constant 0 : i32
      %dma_wait3A_45 = tpu.memref_slice %arg8[%run_scoped3A_7, %dma_wait3A, %dma_wait3A_44] : memref<2x20x128xi32, #tpu.memory_space<vmem>> -> memref<1x20x128xi32, #tpu.memory_space<vmem>>
      %dma_wait3A_46 = tpu.memref_squeeze %dma_wait3A_45 : memref<1x20x128xi32, #tpu.memory_space<vmem>> -> memref<20x128xi32, #tpu.memory_space<vmem>>
      %dma_wait3A_47 = arith.constant 0 : i32
      %dma_wait3A_48 = arith.constant 0 : i32
      %dma_wait3A_49 = arith.constant 0 : i32
      %dma_wait3A_50 = tpu.memref_slice %arg4[%add3A, %dma_wait3A_47, %dma_wait3A_48, %dma_wait3A_49] : memref<32x4x20x128xi32, #tpu.memory_space<hbm>> -> memref<1x4x20x128xi32, #tpu.memory_space<hbm>>
      %dma_wait3A_51 = tpu.memref_squeeze %dma_wait3A_50 : memref<1x4x20x128xi32, #tpu.memory_space<hbm>> -> memref<4x20x128xi32, #tpu.memory_space<hbm>>
      %dma_wait3A_52 = arith.constant 0 : i32
      %dma_wait3A_53 = arith.constant 0 : i32
      %dma_wait3A_54 = tpu.memref_slice %dma_wait3A_51[%run_scoped3A_6, %dma_wait3A_52, %dma_wait3A_53] : memref<4x20x128xi32, #tpu.memory_space<hbm>> -> memref<1x20x128xi32, #tpu.memory_space<hbm>>
      %dma_wait3A_55 = tpu.memref_squeeze %dma_wait3A_54 : memref<1x20x128xi32, #tpu.memory_space<hbm>> -> memref<20x128xi32, #tpu.memory_space<hbm>>
      %dma_wait3A_56 = arith.constant 0 : i32
      %dma_wait3A_57 = arith.constant 0 : i32
      %dma_wait3A_58 = tpu.memref_slice %arg8[%run_scoped3A_7, %dma_wait3A_56, %dma_wait3A_57] : memref<2x20x128xi32, #tpu.memory_space<vmem>> -> memref<1x20x128xi32, #tpu.memory_space<vmem>>
      %dma_wait3A_59 = tpu.memref_squeeze %dma_wait3A_58 : memref<1x20x128xi32, #tpu.memory_space<vmem>> -> memref<20x128xi32, #tpu.memory_space<vmem>>
      %dma_wait3A_60 = arith.constant 0 : i32
      %dma_wait3A_61 = arith.constant 0 : i32
      %dma_wait3A_62 = arith.constant 0 : i32
      %dma_wait3A_63 = tpu.memref_slice %arg4[%add3A, %dma_wait3A_60, %dma_wait3A_61, %dma_wait3A_62] : memref<32x4x20x128xi32, #tpu.memory_space<hbm>> -> memref<1x4x20x128xi32, #tpu.memory_space<hbm>>
      %dma_wait3A_64 = tpu.memref_squeeze %dma_wait3A_63 : memref<1x4x20x128xi32, #tpu.memory_space<hbm>> -> memref<4x20x128xi32, #tpu.memory_space<hbm>>
      %dma_wait3A_65 = arith.constant 0 : i32
      %dma_wait3A_66 = arith.constant 0 : i32
      %dma_wait3A_67 = tpu.memref_slice %dma_wait3A_64[%run_scoped3A_6, %dma_wait3A_65, %dma_wait3A_66] : memref<4x20x128xi32, #tpu.memory_space<hbm>> -> memref<1x20x128xi32, #tpu.memory_space<hbm>>
      %dma_wait3A_68 = tpu.memref_squeeze %dma_wait3A_67 : memref<1x20x128xi32, #tpu.memory_space<hbm>> -> memref<20x128xi32, #tpu.memory_space<hbm>>
      tpu.wait_dma2 semaphore(%run_scoped3A_18 : memref<!tpu.dma_semaphore, #tpu.memory_space<semaphore_mem>>) src(%dma_wait3A_68 : memref<20x128xi32, #tpu.memory_space<hbm>>) dst(%dma_wait3A_59 : memref<20x128xi32, #tpu.memory_space<vmem>>)
      tpu.yield
    }) : () -> ()
    %scan3A = arith.constant 0 : i32
    %scan3A_8 = arith.constant 0 : i32
    %scan3A_9 = arith.constant 4 : i32
    %scan3A_10 = arith.addi %scan3A_8, %scan3A_9 : i32
    %scan3A_11 = arith.constant 1 : i32
    scf.for %scan3A_18 = %scan3A_8 to %scan3A_10 step %scan3A_11  : i32 {
      %rem3A = arith.constant 2 : i32
      %rem3A_19 = arith.remsi %scan3A_18, %rem3A : i32
      %add3A_20 = arith.constant 1 : i32
      %add3A_21 = arith.addi %scan3A_18, %add3A_20 : i32
      %rem3A_22 = arith.constant 2 : i32
      %rem3A_23 = arith.remsi %add3A_21, %rem3A_22 : i32
      %add3A_24 = arith.constant 1 : i32
      %add3A_25 = arith.addi %scan3A_18, %add3A_24 : i32
      %lt3A = arith.constant 4 : i32
      %lt3A_26 = arith.cmpi slt, %add3A_25, %lt3A : i32
      %convert_element_type3A = arith.extui %lt3A_26 : i1 to i32
      %cond3A = arith.constant 0 : i32
      %cond3A_27 = arith.cmpi ne, %convert_element_type3A, %cond3A : i32
      scf.if %cond3A_27 {
        %add3A_62 = arith.constant 1 : i32
        %add3A_63 = arith.addi %scan3A_18, %add3A_62 : i32
        %dma_start3A_64 = arith.constant 0 : i32
        %dma_start3A_65 = arith.constant 0 : i32
        %dma_start3A_66 = tpu.memref_slice %arg7[%rem3A_23, %dma_start3A_64, %dma_start3A_65] : memref<2x20x128xi32, #tpu.memory_space<vmem>> -> memref<1x20x128xi32, #tpu.memory_space<vmem>>
        %dma_start3A_67 = tpu.memref_squeeze %dma_start3A_66 : memref<1x20x128xi32, #tpu.memory_space<vmem>> -> memref<20x128xi32, #tpu.memory_space<vmem>>
        %dma_start3A_68 = arith.constant 0 : i32
        %dma_start3A_69 = arith.constant 0 : i32
        %dma_start3A_70 = arith.constant 0 : i32
        %dma_start3A_71 = tpu.memref_slice %arg3[%add3A, %dma_start3A_68, %dma_start3A_69, %dma_start3A_70] : memref<32x4x20x128xi32, #tpu.memory_space<hbm>> -> memref<1x4x20x128xi32, #tpu.memory_space<hbm>>
        %dma_start3A_72 = tpu.memref_squeeze %dma_start3A_71 : memref<1x4x20x128xi32, #tpu.memory_space<hbm>> -> memref<4x20x128xi32, #tpu.memory_space<hbm>>
        %dma_start3A_73 = arith.constant 0 : i32
        %dma_start3A_74 = arith.constant 0 : i32
        %dma_start3A_75 = tpu.memref_slice %dma_start3A_72[%add3A_63, %dma_start3A_73, %dma_start3A_74] : memref<4x20x128xi32, #tpu.memory_space<hbm>> -> memref<1x20x128xi32, #tpu.memory_space<hbm>>
        %dma_start3A_76 = tpu.memref_squeeze %dma_start3A_75 : memref<1x20x128xi32, #tpu.memory_space<hbm>> -> memref<20x128xi32, #tpu.memory_space<hbm>>
        %dma_start3A_77 = arith.constant 0 : i32
        %dma_start3A_78 = arith.constant 0 : i32
        %dma_start3A_79 = tpu.memref_slice %arg7[%rem3A_23, %dma_start3A_77, %dma_start3A_78] : memref<2x20x128xi32, #tpu.memory_space<vmem>> -> memref<1x20x128xi32, #tpu.memory_space<vmem>>
        %dma_start3A_80 = tpu.memref_squeeze %dma_start3A_79 : memref<1x20x128xi32, #tpu.memory_space<vmem>> -> memref<20x128xi32, #tpu.memory_space<vmem>>
        %dma_start3A_81 = arith.constant 0 : i32
        %dma_start3A_82 = arith.constant 0 : i32
        %dma_start3A_83 = arith.constant 0 : i32
        %dma_start3A_84 = tpu.memref_slice %arg3[%add3A, %dma_start3A_81, %dma_start3A_82, %dma_start3A_83] : memref<32x4x20x128xi32, #tpu.memory_space<hbm>> -> memref<1x4x20x128xi32, #tpu.memory_space<hbm>>
        %dma_start3A_85 = tpu.memref_squeeze %dma_start3A_84 : memref<1x4x20x128xi32, #tpu.memory_space<hbm>> -> memref<4x20x128xi32, #tpu.memory_space<hbm>>
        %dma_start3A_86 = arith.constant 0 : i32
        %dma_start3A_87 = arith.constant 0 : i32
        %dma_start3A_88 = tpu.memref_slice %dma_start3A_85[%add3A_63, %dma_start3A_86, %dma_start3A_87] : memref<4x20x128xi32, #tpu.memory_space<hbm>> -> memref<1x20x128xi32, #tpu.memory_space<hbm>>
        %dma_start3A_89 = tpu.memref_squeeze %dma_start3A_88 : memref<1x20x128xi32, #tpu.memory_space<hbm>> -> memref<20x128xi32, #tpu.memory_space<hbm>>
        tpu.enqueue_dma source(%dma_start3A_89 : memref<20x128xi32, #tpu.memory_space<hbm>>) target(%dma_start3A_80 : memref<20x128xi32, #tpu.memory_space<vmem>>) target_semaphore(%arg13 : memref<!tpu.dma_semaphore, #tpu.memory_space<semaphore_mem>>)
        %add3A_90 = arith.constant 1 : i32
        %add3A_91 = arith.addi %scan3A_18, %add3A_90 : i32
        %dma_start3A_92 = arith.constant 0 : i32
        %dma_start3A_93 = arith.constant 0 : i32
        %dma_start3A_94 = tpu.memref_slice %arg8[%rem3A_23, %dma_start3A_92, %dma_start3A_93] : memref<2x20x128xi32, #tpu.memory_space<vmem>> -> memref<1x20x128xi32, #tpu.memory_space<vmem>>
        %dma_start3A_95 = tpu.memref_squeeze %dma_start3A_94 : memref<1x20x128xi32, #tpu.memory_space<vmem>> -> memref<20x128xi32, #tpu.memory_space<vmem>>
        %dma_start3A_96 = arith.constant 0 : i32
        %dma_start3A_97 = arith.constant 0 : i32
        %dma_start3A_98 = arith.constant 0 : i32
        %dma_start3A_99 = tpu.memref_slice %arg4[%add3A, %dma_start3A_96, %dma_start3A_97, %dma_start3A_98] : memref<32x4x20x128xi32, #tpu.memory_space<hbm>> -> memref<1x4x20x128xi32, #tpu.memory_space<hbm>>
        %dma_start3A_100 = tpu.memref_squeeze %dma_start3A_99 : memref<1x4x20x128xi32, #tpu.memory_space<hbm>> -> memref<4x20x128xi32, #tpu.memory_space<hbm>>
        %dma_start3A_101 = arith.constant 0 : i32
        %dma_start3A_102 = arith.constant 0 : i32
        %dma_start3A_103 = tpu.memref_slice %dma_start3A_100[%add3A_91, %dma_start3A_101, %dma_start3A_102] : memref<4x20x128xi32, #tpu.memory_space<hbm>> -> memref<1x20x128xi32, #tpu.memory_space<hbm>>
        %dma_start3A_104 = tpu.memref_squeeze %dma_start3A_103 : memref<1x20x128xi32, #tpu.memory_space<hbm>> -> memref<20x128xi32, #tpu.memory_space<hbm>>
        %dma_start3A_105 = arith.constant 0 : i32
        %dma_start3A_106 = arith.constant 0 : i32
        %dma_start3A_107 = tpu.memref_slice %arg8[%rem3A_23, %dma_start3A_105, %dma_start3A_106] : memref<2x20x128xi32, #tpu.memory_space<vmem>> -> memref<1x20x128xi32, #tpu.memory_space<vmem>>
        %dma_start3A_108 = tpu.memref_squeeze %dma_start3A_107 : memref<1x20x128xi32, #tpu.memory_space<vmem>> -> memref<20x128xi32, #tpu.memory_space<vmem>>
        %dma_start3A_109 = arith.constant 0 : i32
        %dma_start3A_110 = arith.constant 0 : i32
        %dma_start3A_111 = arith.constant 0 : i32
        %dma_start3A_112 = tpu.memref_slice %arg4[%add3A, %dma_start3A_109, %dma_start3A_110, %dma_start3A_111] : memref<32x4x20x128xi32, #tpu.memory_space<hbm>> -> memref<1x4x20x128xi32, #tpu.memory_space<hbm>>
        %dma_start3A_113 = tpu.memref_squeeze %dma_start3A_112 : memref<1x4x20x128xi32, #tpu.memory_space<hbm>> -> memref<4x20x128xi32, #tpu.memory_space<hbm>>
        %dma_start3A_114 = arith.constant 0 : i32
        %dma_start3A_115 = arith.constant 0 : i32
        %dma_start3A_116 = tpu.memref_slice %dma_start3A_113[%add3A_91, %dma_start3A_114, %dma_start3A_115] : memref<4x20x128xi32, #tpu.memory_space<hbm>> -> memref<1x20x128xi32, #tpu.memory_space<hbm>>
        %dma_start3A_117 = tpu.memref_squeeze %dma_start3A_116 : memref<1x20x128xi32, #tpu.memory_space<hbm>> -> memref<20x128xi32, #tpu.memory_space<hbm>>
        tpu.enqueue_dma source(%dma_start3A_117 : memref<20x128xi32, #tpu.memory_space<hbm>>) target(%dma_start3A_108 : memref<20x128xi32, #tpu.memory_space<vmem>>) target_semaphore(%arg13 : memref<!tpu.dma_semaphore, #tpu.memory_space<semaphore_mem>>)
      } else {
      }
      %dma_start3A = arith.constant 0 : i32
      %dma_start3A_28 = arith.constant 0 : i32
      %dma_start3A_29 = arith.constant 0 : i32
      %dma_start3A_30 = tpu.memref_slice %arg7[%rem3A_19, %dma_start3A_28, %dma_start3A_29] : memref<2x20x128xi32, #tpu.memory_space<vmem>> -> memref<1x20x128xi32, #tpu.memory_space<vmem>>
      %dma_start3A_31 = tpu.memref_squeeze %dma_start3A_30 : memref<1x20x128xi32, #tpu.memory_space<vmem>> -> memref<20x128xi32, #tpu.memory_space<vmem>>
      %dma_start3A_32 = arith.constant 0 : i32
      %dma_start3A_33 = tpu.memref_slice %dma_start3A_31[%dma_start3A, %dma_start3A_32] : memref<20x128xi32, #tpu.memory_space<vmem>> -> memref<1x128xi32, #tpu.memory_space<vmem>>
      %dma_start3A_34 = tpu.memref_squeeze %dma_start3A_33 : memref<1x128xi32, #tpu.memory_space<vmem>> -> memref<128xi32, #tpu.memory_space<vmem>>
      %dma_start3A_35 = arith.constant 0 : i32
      %dma_start3A_36 = arith.constant 0 : i32
      %dma_start3A_37 = tpu.memref_slice %arg2[%dma_start3A_35, %dma_start3A_36] : memref<10000x128xf32, #tpu.memory_space<hbm>> -> memref<10000x128xf32, #tpu.memory_space<hbm>>
      tpu.enqueue_indirect_dma source(%dma_start3A_37 : memref<10000x128xf32, #tpu.memory_space<hbm>>) target(%arg9 : memref<128x128xf32, #tpu.memory_space<vmem>>) offsets(%dma_start3A_34 : memref<128xi32, #tpu.memory_space<vmem>>) semaphore(%arg11 : memref<!tpu.dma_semaphore, #tpu.memory_space<semaphore_mem>>)
      %dma_start3A_38 = arith.constant 1 : i32
      %dma_start3A_39 = arith.constant 0 : i32
      %dma_start3A_40 = arith.constant 0 : i32
      %dma_start3A_41 = tpu.memref_slice %arg7[%rem3A_19, %dma_start3A_39, %dma_start3A_40] : memref<2x20x128xi32, #tpu.memory_space<vmem>> -> memref<1x20x128xi32, #tpu.memory_space<vmem>>
      %dma_start3A_42 = tpu.memref_squeeze %dma_start3A_41 : memref<1x20x128xi32, #tpu.memory_space<vmem>> -> memref<20x128xi32, #tpu.memory_space<vmem>>
      %dma_start3A_43 = arith.constant 0 : i32
      %dma_start3A_44 = tpu.memref_slice %dma_start3A_42[%dma_start3A_38, %dma_start3A_43] : memref<20x128xi32, #tpu.memory_space<vmem>> -> memref<1x128xi32, #tpu.memory_space<vmem>>
      %dma_start3A_45 = tpu.memref_squeeze %dma_start3A_44 : memref<1x128xi32, #tpu.memory_space<vmem>> -> memref<128xi32, #tpu.memory_space<vmem>>
      %dma_start3A_46 = arith.constant 0 : i32
      %dma_start3A_47 = arith.constant 0 : i32
      %dma_start3A_48 = tpu.memref_slice %arg2[%dma_start3A_46, %dma_start3A_47] : memref<10000x128xf32, #tpu.memory_space<hbm>> -> memref<10000x128xf32, #tpu.memory_space<hbm>>
      tpu.enqueue_indirect_dma source(%dma_start3A_48 : memref<10000x128xf32, #tpu.memory_space<hbm>>) target(%arg10 : memref<128x128xf32, #tpu.memory_space<vmem>>) offsets(%dma_start3A_45 : memref<128xi32, #tpu.memory_space<vmem>>) semaphore(%arg12 : memref<!tpu.dma_semaphore, #tpu.memory_space<semaphore_mem>>)
      %scan3A_49 = arith.constant 0 : i32
      %scan3A_50 = arith.constant 0 : i32
      %scan3A_51 = arith.constant 10 : i32
      %scan3A_52 = arith.addi %scan3A_50, %scan3A_51 : i32
      %scan3A_53 = arith.constant 1 : i32
      scf.for %scan3A_62 = %scan3A_50 to %scan3A_52 step %scan3A_53  : i32 {
        %mul3A_63 = arith.constant 2 : i32
        %mul3A_64 = arith.muli %mul3A_63, %scan3A_62 : i32
        %dma_wait3A = arith.constant 0 : i32
        %dma_wait3A_65 = arith.constant 0 : i32
        %dma_wait3A_66 = tpu.memref_slice %arg7[%rem3A_19, %dma_wait3A, %dma_wait3A_65] : memref<2x20x128xi32, #tpu.memory_space<vmem>> -> memref<1x20x128xi32, #tpu.memory_space<vmem>>
        %dma_wait3A_67 = tpu.memref_squeeze %dma_wait3A_66 : memref<1x20x128xi32, #tpu.memory_space<vmem>> -> memref<20x128xi32, #tpu.memory_space<vmem>>
        %dma_wait3A_68 = arith.constant 0 : i32
        %dma_wait3A_69 = tpu.memref_slice %dma_wait3A_67[%mul3A_64, %dma_wait3A_68] : memref<20x128xi32, #tpu.memory_space<vmem>> -> memref<1x128xi32, #tpu.memory_space<vmem>>
        %dma_wait3A_70 = tpu.memref_squeeze %dma_wait3A_69 : memref<1x128xi32, #tpu.memory_space<vmem>> -> memref<128xi32, #tpu.memory_space<vmem>>
        %dma_wait3A_71 = arith.constant 0 : i32
        %dma_wait3A_72 = arith.constant 0 : i32
        %dma_wait3A_73 = tpu.memref_slice %arg2[%dma_wait3A_71, %dma_wait3A_72] : memref<10000x128xf32, #tpu.memory_space<hbm>> -> memref<10000x128xf32, #tpu.memory_space<hbm>>
        tpu.wait_indirect_dma semaphore(%arg11 : memref<!tpu.dma_semaphore, #tpu.memory_space<semaphore_mem>>) src(%dma_wait3A_73 : memref<10000x128xf32, #tpu.memory_space<hbm>>) dst(%arg9 : memref<128x128xf32, #tpu.memory_space<vmem>>)
        "tpu.region"() ({
          %run_scoped3A_102 = tpu.sem_alloc : memref<!tpu.dma_semaphore, #tpu.memory_space<semaphore_mem>>
          %dma_start3A_103 = arith.constant 0 : i32
          %dma_start3A_104 = arith.constant 0 : i32
          %dma_start3A_105 = tpu.memref_slice %arg8[%rem3A_19, %dma_start3A_103, %dma_start3A_104] : memref<2x20x128xi32, #tpu.memory_space<vmem>> -> memref<1x20x128xi32, #tpu.memory_space<vmem>>
          %dma_start3A_106 = tpu.memref_squeeze %dma_start3A_105 : memref<1x20x128xi32, #tpu.memory_space<vmem>> -> memref<20x128xi32, #tpu.memory_space<vmem>>
          %dma_start3A_107 = arith.constant 0 : i32
          %dma_start3A_108 = tpu.memref_slice %dma_start3A_106[%mul3A_64, %dma_start3A_107] : memref<20x128xi32, #tpu.memory_space<vmem>> -> memref<1x128xi32, #tpu.memory_space<vmem>>
          %dma_start3A_109 = tpu.memref_squeeze %dma_start3A_108 : memref<1x128xi32, #tpu.memory_space<vmem>> -> memref<128xi32, #tpu.memory_space<vmem>>
          %dma_start3A_110 = arith.constant 0 : i32
          %dma_start3A_111 = arith.constant 0 : i32
          %dma_start3A_112 = tpu.memref_slice %arg14[%dma_start3A_110, %dma_start3A_111] : memref<10112x128xf32, #tpu.memory_space<vmem_shared>> -> memref<10112x128xf32, #tpu.memory_space<vmem_shared>>
          tpu.enqueue_indirect_dma source(%arg9 : memref<128x128xf32, #tpu.memory_space<vmem>>) target(%dma_start3A_112 : memref<10112x128xf32, #tpu.memory_space<vmem_shared>>) offsets(%dma_start3A_109 : memref<128xi32, #tpu.memory_space<vmem>>) semaphore(%run_scoped3A_102 : memref<!tpu.dma_semaphore, #tpu.memory_space<semaphore_mem>>) {add = true}
          %dma_wait3A_113 = arith.constant 0 : i32
          %dma_wait3A_114 = arith.constant 0 : i32
          %dma_wait3A_115 = tpu.memref_slice %arg8[%rem3A_19, %dma_wait3A_113, %dma_wait3A_114] : memref<2x20x128xi32, #tpu.memory_space<vmem>> -> memref<1x20x128xi32, #tpu.memory_space<vmem>>
          %dma_wait3A_116 = tpu.memref_squeeze %dma_wait3A_115 : memref<1x20x128xi32, #tpu.memory_space<vmem>> -> memref<20x128xi32, #tpu.memory_space<vmem>>
          %dma_wait3A_117 = arith.constant 0 : i32
          %dma_wait3A_118 = tpu.memref_slice %dma_wait3A_116[%mul3A_64, %dma_wait3A_117] : memref<20x128xi32, #tpu.memory_space<vmem>> -> memref<1x128xi32, #tpu.memory_space<vmem>>
          %dma_wait3A_119 = tpu.memref_squeeze %dma_wait3A_118 : memref<1x128xi32, #tpu.memory_space<vmem>> -> memref<128xi32, #tpu.memory_space<vmem>>
          %dma_wait3A_120 = arith.constant 0 : i32
          %dma_wait3A_121 = arith.constant 0 : i32
          %dma_wait3A_122 = tpu.memref_slice %arg14[%dma_wait3A_120, %dma_wait3A_121] : memref<10112x128xf32, #tpu.memory_space<vmem_shared>> -> memref<10112x128xf32, #tpu.memory_space<vmem_shared>>
          tpu.wait_indirect_dma semaphore(%run_scoped3A_102 : memref<!tpu.dma_semaphore, #tpu.memory_space<semaphore_mem>>) src(%arg9 : memref<128x128xf32, #tpu.memory_space<vmem>>) dst(%dma_wait3A_122 : memref<10112x128xf32, #tpu.memory_space<vmem_shared>>)
          tpu.yield
        }) : () -> ()
        %add3A_74 = arith.constant 2 : i32
        %add3A_75 = arith.addi %mul3A_64, %add3A_74 : i32
        %lt3A_76 = arith.constant 20 : i32
        %lt3A_77 = arith.cmpi slt, %add3A_75, %lt3A_76 : i32
        %convert_element_type3A_78 = arith.extui %lt3A_77 : i1 to i32
        %cond3A_79 = arith.constant 0 : i32
        %cond3A_80 = arith.cmpi ne, %convert_element_type3A_78, %cond3A_79 : i32
        scf.if %cond3A_80 {
          %add3A_102 = arith.constant 2 : i32
          %add3A_103 = arith.addi %mul3A_64, %add3A_102 : i32
          %dma_start3A_104 = arith.constant 0 : i32
          %dma_start3A_105 = arith.constant 0 : i32
          %dma_start3A_106 = tpu.memref_slice %arg7[%rem3A_19, %dma_start3A_104, %dma_start3A_105] : memref<2x20x128xi32, #tpu.memory_space<vmem>> -> memref<1x20x128xi32, #tpu.memory_space<vmem>>
          %dma_start3A_107 = tpu.memref_squeeze %dma_start3A_106 : memref<1x20x128xi32, #tpu.memory_space<vmem>> -> memref<20x128xi32, #tpu.memory_space<vmem>>
          %dma_start3A_108 = arith.constant 0 : i32
          %dma_start3A_109 = tpu.memref_slice %dma_start3A_107[%add3A_103, %dma_start3A_108] : memref<20x128xi32, #tpu.memory_space<vmem>> -> memref<1x128xi32, #tpu.memory_space<vmem>>
          %dma_start3A_110 = tpu.memref_squeeze %dma_start3A_109 : memref<1x128xi32, #tpu.memory_space<vmem>> -> memref<128xi32, #tpu.memory_space<vmem>>
          %dma_start3A_111 = arith.constant 0 : i32
          %dma_start3A_112 = arith.constant 0 : i32
          %dma_start3A_113 = tpu.memref_slice %arg2[%dma_start3A_111, %dma_start3A_112] : memref<10000x128xf32, #tpu.memory_space<hbm>> -> memref<10000x128xf32, #tpu.memory_space<hbm>>
          tpu.enqueue_indirect_dma source(%dma_start3A_113 : memref<10000x128xf32, #tpu.memory_space<hbm>>) target(%arg9 : memref<128x128xf32, #tpu.memory_space<vmem>>) offsets(%dma_start3A_110 : memref<128xi32, #tpu.memory_space<vmem>>) semaphore(%arg11 : memref<!tpu.dma_semaphore, #tpu.memory_space<semaphore_mem>>)
        } else {
        }
        %add3A_81 = arith.constant 1 : i32
        %add3A_82 = arith.addi %mul3A_64, %add3A_81 : i32
        %dma_wait3A_83 = arith.constant 0 : i32
        %dma_wait3A_84 = arith.constant 0 : i32
        %dma_wait3A_85 = tpu.memref_slice %arg7[%rem3A_19, %dma_wait3A_83, %dma_wait3A_84] : memref<2x20x128xi32, #tpu.memory_space<vmem>> -> memref<1x20x128xi32, #tpu.memory_space<vmem>>
        %dma_wait3A_86 = tpu.memref_squeeze %dma_wait3A_85 : memref<1x20x128xi32, #tpu.memory_space<vmem>> -> memref<20x128xi32, #tpu.memory_space<vmem>>
        %dma_wait3A_87 = arith.constant 0 : i32
        %dma_wait3A_88 = tpu.memref_slice %dma_wait3A_86[%add3A_82, %dma_wait3A_87] : memref<20x128xi32, #tpu.memory_space<vmem>> -> memref<1x128xi32, #tpu.memory_space<vmem>>
        %dma_wait3A_89 = tpu.memref_squeeze %dma_wait3A_88 : memref<1x128xi32, #tpu.memory_space<vmem>> -> memref<128xi32, #tpu.memory_space<vmem>>
        %dma_wait3A_90 = arith.constant 0 : i32
        %dma_wait3A_91 = arith.constant 0 : i32
        %dma_wait3A_92 = tpu.memref_slice %arg2[%dma_wait3A_90, %dma_wait3A_91] : memref<10000x128xf32, #tpu.memory_space<hbm>> -> memref<10000x128xf32, #tpu.memory_space<hbm>>
        tpu.wait_indirect_dma semaphore(%arg12 : memref<!tpu.dma_semaphore, #tpu.memory_space<semaphore_mem>>) src(%dma_wait3A_92 : memref<10000x128xf32, #tpu.memory_space<hbm>>) dst(%arg10 : memref<128x128xf32, #tpu.memory_space<vmem>>)
        %add3A_93 = arith.constant 1 : i32
        %add3A_94 = arith.addi %mul3A_64, %add3A_93 : i32
        "tpu.region"() ({
          %run_scoped3A_102 = tpu.sem_alloc : memref<!tpu.dma_semaphore, #tpu.memory_space<semaphore_mem>>
          %dma_start3A_103 = arith.constant 0 : i32
          %dma_start3A_104 = arith.constant 0 : i32
          %dma_start3A_105 = tpu.memref_slice %arg8[%rem3A_19, %dma_start3A_103, %dma_start3A_104] : memref<2x20x128xi32, #tpu.memory_space<vmem>> -> memref<1x20x128xi32, #tpu.memory_space<vmem>>
          %dma_start3A_106 = tpu.memref_squeeze %dma_start3A_105 : memref<1x20x128xi32, #tpu.memory_space<vmem>> -> memref<20x128xi32, #tpu.memory_space<vmem>>
          %dma_start3A_107 = arith.constant 0 : i32
          %dma_start3A_108 = tpu.memref_slice %dma_start3A_106[%add3A_94, %dma_start3A_107] : memref<20x128xi32, #tpu.memory_space<vmem>> -> memref<1x128xi32, #tpu.memory_space<vmem>>
          %dma_start3A_109 = tpu.memref_squeeze %dma_start3A_108 : memref<1x128xi32, #tpu.memory_space<vmem>> -> memref<128xi32, #tpu.memory_space<vmem>>
          %dma_start3A_110 = arith.constant 0 : i32
          %dma_start3A_111 = arith.constant 0 : i32
          %dma_start3A_112 = tpu.memref_slice %arg14[%dma_start3A_110, %dma_start3A_111] : memref<10112x128xf32, #tpu.memory_space<vmem_shared>> -> memref<10112x128xf32, #tpu.memory_space<vmem_shared>>
          tpu.enqueue_indirect_dma source(%arg10 : memref<128x128xf32, #tpu.memory_space<vmem>>) target(%dma_start3A_112 : memref<10112x128xf32, #tpu.memory_space<vmem_shared>>) offsets(%dma_start3A_109 : memref<128xi32, #tpu.memory_space<vmem>>) semaphore(%run_scoped3A_102 : memref<!tpu.dma_semaphore, #tpu.memory_space<semaphore_mem>>) {add = true}
          %dma_wait3A_113 = arith.constant 0 : i32
          %dma_wait3A_114 = arith.constant 0 : i32
          %dma_wait3A_115 = tpu.memref_slice %arg8[%rem3A_19, %dma_wait3A_113, %dma_wait3A_114] : memref<2x20x128xi32, #tpu.memory_space<vmem>> -> memref<1x20x128xi32, #tpu.memory_space<vmem>>
          %dma_wait3A_116 = tpu.memref_squeeze %dma_wait3A_115 : memref<1x20x128xi32, #tpu.memory_space<vmem>> -> memref<20x128xi32, #tpu.memory_space<vmem>>
          %dma_wait3A_117 = arith.constant 0 : i32
          %dma_wait3A_118 = tpu.memref_slice %dma_wait3A_116[%add3A_94, %dma_wait3A_117] : memref<20x128xi32, #tpu.memory_space<vmem>> -> memref<1x128xi32, #tpu.memory_space<vmem>>
          %dma_wait3A_119 = tpu.memref_squeeze %dma_wait3A_118 : memref<1x128xi32, #tpu.memory_space<vmem>> -> memref<128xi32, #tpu.memory_space<vmem>>
          %dma_wait3A_120 = arith.constant 0 : i32
          %dma_wait3A_121 = arith.constant 0 : i32
          %dma_wait3A_122 = tpu.memref_slice %arg14[%dma_wait3A_120, %dma_wait3A_121] : memref<10112x128xf32, #tpu.memory_space<vmem_shared>> -> memref<10112x128xf32, #tpu.memory_space<vmem_shared>>
          tpu.wait_indirect_dma semaphore(%run_scoped3A_102 : memref<!tpu.dma_semaphore, #tpu.memory_space<semaphore_mem>>) src(%arg10 : memref<128x128xf32, #tpu.memory_space<vmem>>) dst(%dma_wait3A_122 : memref<10112x128xf32, #tpu.memory_space<vmem_shared>>)
          tpu.yield
        }) : () -> ()
        %add3A_95 = arith.constant 3 : i32
        %add3A_96 = arith.addi %mul3A_64, %add3A_95 : i32
        %lt3A_97 = arith.constant 20 : i32
        %lt3A_98 = arith.cmpi slt, %add3A_96, %lt3A_97 : i32
        %convert_element_type3A_99 = arith.extui %lt3A_98 : i1 to i32
        %cond3A_100 = arith.constant 0 : i32
        %cond3A_101 = arith.cmpi ne, %convert_element_type3A_99, %cond3A_100 : i32
        scf.if %cond3A_101 {
          %add3A_102 = arith.constant 3 : i32
          %add3A_103 = arith.addi %mul3A_64, %add3A_102 : i32
          %dma_start3A_104 = arith.constant 0 : i32
          %dma_start3A_105 = arith.constant 0 : i32
          %dma_start3A_106 = tpu.memref_slice %arg7[%rem3A_19, %dma_start3A_104, %dma_start3A_105] : memref<2x20x128xi32, #tpu.memory_space<vmem>> -> memref<1x20x128xi32, #tpu.memory_space<vmem>>
          %dma_start3A_107 = tpu.memref_squeeze %dma_start3A_106 : memref<1x20x128xi32, #tpu.memory_space<vmem>> -> memref<20x128xi32, #tpu.memory_space<vmem>>
          %dma_start3A_108 = arith.constant 0 : i32
          %dma_start3A_109 = tpu.memref_slice %dma_start3A_107[%add3A_103, %dma_start3A_108] : memref<20x128xi32, #tpu.memory_space<vmem>> -> memref<1x128xi32, #tpu.memory_space<vmem>>
          %dma_start3A_110 = tpu.memref_squeeze %dma_start3A_109 : memref<1x128xi32, #tpu.memory_space<vmem>> -> memref<128xi32, #tpu.memory_space<vmem>>
          %dma_start3A_111 = arith.constant 0 : i32
          %dma_start3A_112 = arith.constant 0 : i32
          %dma_start3A_113 = tpu.memref_slice %arg2[%dma_start3A_111, %dma_start3A_112] : memref<10000x128xf32, #tpu.memory_space<hbm>> -> memref<10000x128xf32, #tpu.memory_space<hbm>>
          tpu.enqueue_indirect_dma source(%dma_start3A_113 : memref<10000x128xf32, #tpu.memory_space<hbm>>) target(%arg10 : memref<128x128xf32, #tpu.memory_space<vmem>>) offsets(%dma_start3A_110 : memref<128xi32, #tpu.memory_space<vmem>>) semaphore(%arg12 : memref<!tpu.dma_semaphore, #tpu.memory_space<semaphore_mem>>)
        } else {
        }
      }
      %scan3A_54 = arith.constant 10 : i32
      %add3A_55 = arith.constant 1 : i32
      %add3A_56 = arith.addi %scan3A_18, %add3A_55 : i32
      %lt3A_57 = arith.constant 4 : i32
      %lt3A_58 = arith.cmpi slt, %add3A_56, %lt3A_57 : i32
      %convert_element_type3A_59 = arith.extui %lt3A_58 : i1 to i32
      %cond3A_60 = arith.constant 0 : i32
      %cond3A_61 = arith.cmpi ne, %convert_element_type3A_59, %cond3A_60 : i32
      scf.if %cond3A_61 {
        %add3A_62 = arith.constant 1 : i32
        %add3A_63 = arith.addi %scan3A_18, %add3A_62 : i32
        %dma_wait3A = arith.constant 0 : i32
        %dma_wait3A_64 = arith.constant 0 : i32
        %dma_wait3A_65 = tpu.memref_slice %arg7[%rem3A_23, %dma_wait3A, %dma_wait3A_64] : memref<2x20x128xi32, #tpu.memory_space<vmem>> -> memref<1x20x128xi32, #tpu.memory_space<vmem>>
        %dma_wait3A_66 = tpu.memref_squeeze %dma_wait3A_65 : memref<1x20x128xi32, #tpu.memory_space<vmem>> -> memref<20x128xi32, #tpu.memory_space<vmem>>
        %dma_wait3A_67 = arith.constant 0 : i32
        %dma_wait3A_68 = arith.constant 0 : i32
        %dma_wait3A_69 = arith.constant 0 : i32
        %dma_wait3A_70 = tpu.memref_slice %arg3[%add3A, %dma_wait3A_67, %dma_wait3A_68, %dma_wait3A_69] : memref<32x4x20x128xi32, #tpu.memory_space<hbm>> -> memref<1x4x20x128xi32, #tpu.memory_space<hbm>>
        %dma_wait3A_71 = tpu.memref_squeeze %dma_wait3A_70 : memref<1x4x20x128xi32, #tpu.memory_space<hbm>> -> memref<4x20x128xi32, #tpu.memory_space<hbm>>
        %dma_wait3A_72 = arith.constant 0 : i32
        %dma_wait3A_73 = arith.constant 0 : i32
        %dma_wait3A_74 = tpu.memref_slice %dma_wait3A_71[%add3A_63, %dma_wait3A_72, %dma_wait3A_73] : memref<4x20x128xi32, #tpu.memory_space<hbm>> -> memref<1x20x128xi32, #tpu.memory_space<hbm>>
        %dma_wait3A_75 = tpu.memref_squeeze %dma_wait3A_74 : memref<1x20x128xi32, #tpu.memory_space<hbm>> -> memref<20x128xi32, #tpu.memory_space<hbm>>
        %dma_wait3A_76 = arith.constant 0 : i32
        %dma_wait3A_77 = arith.constant 0 : i32
        %dma_wait3A_78 = tpu.memref_slice %arg7[%rem3A_23, %dma_wait3A_76, %dma_wait3A_77] : memref<2x20x128xi32, #tpu.memory_space<vmem>> -> memref<1x20x128xi32, #tpu.memory_space<vmem>>
        %dma_wait3A_79 = tpu.memref_squeeze %dma_wait3A_78 : memref<1x20x128xi32, #tpu.memory_space<vmem>> -> memref<20x128xi32, #tpu.memory_space<vmem>>
        %dma_wait3A_80 = arith.constant 0 : i32
        %dma_wait3A_81 = arith.constant 0 : i32
        %dma_wait3A_82 = arith.constant 0 : i32
        %dma_wait3A_83 = tpu.memref_slice %arg3[%add3A, %dma_wait3A_80, %dma_wait3A_81, %dma_wait3A_82] : memref<32x4x20x128xi32, #tpu.memory_space<hbm>> -> memref<1x4x20x128xi32, #tpu.memory_space<hbm>>
        %dma_wait3A_84 = tpu.memref_squeeze %dma_wait3A_83 : memref<1x4x20x128xi32, #tpu.memory_space<hbm>> -> memref<4x20x128xi32, #tpu.memory_space<hbm>>
        %dma_wait3A_85 = arith.constant 0 : i32
        %dma_wait3A_86 = arith.constant 0 : i32
        %dma_wait3A_87 = tpu.memref_slice %dma_wait3A_84[%add3A_63, %dma_wait3A_85, %dma_wait3A_86] : memref<4x20x128xi32, #tpu.memory_space<hbm>> -> memref<1x20x128xi32, #tpu.memory_space<hbm>>
        %dma_wait3A_88 = tpu.memref_squeeze %dma_wait3A_87 : memref<1x20x128xi32, #tpu.memory_space<hbm>> -> memref<20x128xi32, #tpu.memory_space<hbm>>
        tpu.wait_dma2 semaphore(%arg13 : memref<!tpu.dma_semaphore, #tpu.memory_space<semaphore_mem>>) src(%dma_wait3A_88 : memref<20x128xi32, #tpu.memory_space<hbm>>) dst(%dma_wait3A_79 : memref<20x128xi32, #tpu.memory_space<vmem>>)
        %add3A_89 = arith.constant 1 : i32
        %add3A_90 = arith.addi %scan3A_18, %add3A_89 : i32
        %dma_wait3A_91 = arith.constant 0 : i32
        %dma_wait3A_92 = arith.constant 0 : i32
        %dma_wait3A_93 = tpu.memref_slice %arg8[%rem3A_23, %dma_wait3A_91, %dma_wait3A_92] : memref<2x20x128xi32, #tpu.memory_space<vmem>> -> memref<1x20x128xi32, #tpu.memory_space<vmem>>
        %dma_wait3A_94 = tpu.memref_squeeze %dma_wait3A_93 : memref<1x20x128xi32, #tpu.memory_space<vmem>> -> memref<20x128xi32, #tpu.memory_space<vmem>>
        %dma_wait3A_95 = arith.constant 0 : i32
        %dma_wait3A_96 = arith.constant 0 : i32
        %dma_wait3A_97 = arith.constant 0 : i32
        %dma_wait3A_98 = tpu.memref_slice %arg4[%add3A, %dma_wait3A_95, %dma_wait3A_96, %dma_wait3A_97] : memref<32x4x20x128xi32, #tpu.memory_space<hbm>> -> memref<1x4x20x128xi32, #tpu.memory_space<hbm>>
        %dma_wait3A_99 = tpu.memref_squeeze %dma_wait3A_98 : memref<1x4x20x128xi32, #tpu.memory_space<hbm>> -> memref<4x20x128xi32, #tpu.memory_space<hbm>>
        %dma_wait3A_100 = arith.constant 0 : i32
        %dma_wait3A_101 = arith.constant 0 : i32
        %dma_wait3A_102 = tpu.memref_slice %dma_wait3A_99[%add3A_90, %dma_wait3A_100, %dma_wait3A_101] : memref<4x20x128xi32, #tpu.memory_space<hbm>> -> memref<1x20x128xi32, #tpu.memory_space<hbm>>
        %dma_wait3A_103 = tpu.memref_squeeze %dma_wait3A_102 : memref<1x20x128xi32, #tpu.memory_space<hbm>> -> memref<20x128xi32, #tpu.memory_space<hbm>>
        %dma_wait3A_104 = arith.constant 0 : i32
        %dma_wait3A_105 = arith.constant 0 : i32
        %dma_wait3A_106 = tpu.memref_slice %arg8[%rem3A_23, %dma_wait3A_104, %dma_wait3A_105] : memref<2x20x128xi32, #tpu.memory_space<vmem>> -> memref<1x20x128xi32, #tpu.memory_space<vmem>>
        %dma_wait3A_107 = tpu.memref_squeeze %dma_wait3A_106 : memref<1x20x128xi32, #tpu.memory_space<vmem>> -> memref<20x128xi32, #tpu.memory_space<vmem>>
        %dma_wait3A_108 = arith.constant 0 : i32
        %dma_wait3A_109 = arith.constant 0 : i32
        %dma_wait3A_110 = arith.constant 0 : i32
        %dma_wait3A_111 = tpu.memref_slice %arg4[%add3A, %dma_wait3A_108, %dma_wait3A_109, %dma_wait3A_110] : memref<32x4x20x128xi32, #tpu.memory_space<hbm>> -> memref<1x4x20x128xi32, #tpu.memory_space<hbm>>
        %dma_wait3A_112 = tpu.memref_squeeze %dma_wait3A_111 : memref<1x4x20x128xi32, #tpu.memory_space<hbm>> -> memref<4x20x128xi32, #tpu.memory_space<hbm>>
        %dma_wait3A_113 = arith.constant 0 : i32
        %dma_wait3A_114 = arith.constant 0 : i32
        %dma_wait3A_115 = tpu.memref_slice %dma_wait3A_112[%add3A_90, %dma_wait3A_113, %dma_wait3A_114] : memref<4x20x128xi32, #tpu.memory_space<hbm>> -> memref<1x20x128xi32, #tpu.memory_space<hbm>>
        %dma_wait3A_116 = tpu.memref_squeeze %dma_wait3A_115 : memref<1x20x128xi32, #tpu.memory_space<hbm>> -> memref<20x128xi32, #tpu.memory_space<hbm>>
        tpu.wait_dma2 semaphore(%arg13 : memref<!tpu.dma_semaphore, #tpu.memory_space<semaphore_mem>>) src(%dma_wait3A_116 : memref<20x128xi32, #tpu.memory_space<hbm>>) dst(%dma_wait3A_107 : memref<20x128xi32, #tpu.memory_space<vmem>>)
      } else {
      }
    }
    %scan3A_12 = arith.constant 4 : i32
    %barrier3A_13 = arith.constant 0 : index
    tpu.barrier barrier_id(%barrier3A_13)
    %mul3A_14 = arith.constant 632 : i32
    %mul3A_15 = arith.muli %arg1, %mul3A_14 : i32
    %mul3A_16 = arith.constant 632 : i32
    %mul3A_17 = arith.muli %arg1, %mul3A_16 : i32
    "tpu.region"() ({
      %run_scoped3A_18 = tpu.sem_alloc : memref<!tpu.dma_semaphore, #tpu.memory_space<semaphore_mem>>
      %dma_start3A = arith.constant 0 : i32
      %dma_start3A_19 = arith.constant 0 : i32
      %dma_start3A_20 = tpu.memref_slice %arg6[%arg0, %dma_start3A, %dma_start3A_19] : memref<2x10112x128xf32, #tpu.memory_space<hbm>> -> memref<1x10112x128xf32, #tpu.memory_space<hbm>>
      %dma_start3A_21 = tpu.memref_squeeze %dma_start3A_20 : memref<1x10112x128xf32, #tpu.memory_space<hbm>> -> memref<10112x128xf32, #tpu.memory_space<hbm>>
      %dma_start3A_22 = arith.constant 0 : i32
      %dma_start3A_23 = tpu.memref_slice %dma_start3A_21[%mul3A_17, %dma_start3A_22] : memref<10112x128xf32, #tpu.memory_space<hbm>> -> memref<632x128xf32, #tpu.memory_space<hbm>>
      %dma_start3A_24 = arith.constant 0 : i32
      %dma_start3A_25 = tpu.memref_slice %arg14[%mul3A_15, %dma_start3A_24] : memref<10112x128xf32, #tpu.memory_space<vmem_shared>> -> memref<632x128xf32, #tpu.memory_space<vmem_shared>>
      tpu.enqueue_dma source(%dma_start3A_25 : memref<632x128xf32, #tpu.memory_space<vmem_shared>>) target(%dma_start3A_23 : memref<632x128xf32, #tpu.memory_space<hbm>>) target_semaphore(%run_scoped3A_18 : memref<!tpu.dma_semaphore, #tpu.memory_space<semaphore_mem>>)
      %dma_wait3A = arith.constant 0 : i32
      %dma_wait3A_26 = arith.constant 0 : i32
      %dma_wait3A_27 = tpu.memref_slice %arg6[%arg0, %dma_wait3A, %dma_wait3A_26] : memref<2x10112x128xf32, #tpu.memory_space<hbm>> -> memref<1x10112x128xf32, #tpu.memory_space<hbm>>
      %dma_wait3A_28 = tpu.memref_squeeze %dma_wait3A_27 : memref<1x10112x128xf32, #tpu.memory_space<hbm>> -> memref<10112x128xf32, #tpu.memory_space<hbm>>
      %dma_wait3A_29 = arith.constant 0 : i32
      %dma_wait3A_30 = tpu.memref_slice %dma_wait3A_28[%mul3A_17, %dma_wait3A_29] : memref<10112x128xf32, #tpu.memory_space<hbm>> -> memref<632x128xf32, #tpu.memory_space<hbm>>
      %dma_wait3A_31 = arith.constant 0 : i32
      %dma_wait3A_32 = tpu.memref_slice %arg14[%mul3A_15, %dma_wait3A_31] : memref<10112x128xf32, #tpu.memory_space<vmem_shared>> -> memref<632x128xf32, #tpu.memory_space<vmem_shared>>
      tpu.wait_dma2 semaphore(%run_scoped3A_18 : memref<!tpu.dma_semaphore, #tpu.memory_space<semaphore_mem>>) src(%dma_wait3A_32 : memref<632x128xf32, #tpu.memory_space<vmem_shared>>) dst(%dma_wait3A_30 : memref<632x128xf32, #tpu.memory_space<hbm>>)
      tpu.yield
    }) : () -> ()
    return
  }
}

#map = affine_map<(d0, d1) -> (0, 0)>
#map1 = affine_map<(d0, d1) -> (0, 0, 0)>
module attributes {stable_mosaic.version = 14 : i64} {
  func.func @k(%arg0: i32, %arg1: i32, %arg2: memref<10112x128xf32, #tpu.memory_space<hbm>>, %arg3: memref<10112x128xf32, #tpu.memory_space<hbm>>, %arg4: memref<32x4x128xi32, #tpu.memory_space<hbm>>, %arg5: memref<32x4x128xi32, #tpu.memory_space<hbm>>, %arg6: memref<16384x128xf32, #tpu.memory_space<hbm>>, %arg7: memref<16384x128xf32, #tpu.memory_space<hbm>>, %arg8: memref<4x128xi32, #tpu.memory_space<vmem>>, %arg9: memref<4x128xi32, #tpu.memory_space<vmem>>, %arg10: memref<2x128x128xf32, #tpu.memory_space<vmem>>, %arg11: memref<2x128x128xf32, #tpu.memory_space<vmem>>, %arg12: memref<!tpu.dma_semaphore, #tpu.memory_space<semaphore_mem>>, %arg13: memref<!tpu.dma_semaphore, #tpu.memory_space<semaphore_mem>>) attributes {dimension_semantics = [#tpu.dimension_semantics<core_parallel>, #tpu.dimension_semantics<subcore_parallel>], iteration_bounds = array<i64: 2, 16>, scalar_prefetch = 0 : i64, scratch_operands = 6 : i64, tpu.core_type = #tpu.core_type<sc_vector_subcore>, window_params = [{transform_indices = #map}, {transform_indices = #map}, {transform_indices = #map1}, {transform_indices = #map1}, {transform_indices = #map}, {transform_indices = #map}]} {
    %mul3A = arith.constant 16 : i32
    %mul3A_0 = arith.muli %arg0, %mul3A : i32
    %add3A = arith.addi %mul3A_0, %arg1 : i32
    %mul3A_1 = arith.constant 4 : i32
    %mul3A_2 = arith.muli %add3A, %mul3A_1 : i32
    "tpu.region"() ({
      %run_scoped3A = tpu.sem_alloc : memref<!tpu.dma_semaphore, #tpu.memory_space<semaphore_mem>>
      %dma_start3A_31 = arith.constant 0 : i32
      %dma_start3A_32 = arith.constant 0 : i32
      %dma_start3A_33 = tpu.memref_slice %arg4[%add3A, %dma_start3A_31, %dma_start3A_32] : memref<32x4x128xi32, #tpu.memory_space<hbm>> -> memref<1x4x128xi32, #tpu.memory_space<hbm>>
      %dma_start3A_34 = tpu.memref_squeeze %dma_start3A_33 : memref<1x4x128xi32, #tpu.memory_space<hbm>> -> memref<4x128xi32, #tpu.memory_space<hbm>>
      %dma_start3A_35 = arith.constant 0 : i32
      %dma_start3A_36 = arith.constant 0 : i32
      %dma_start3A_37 = tpu.memref_slice %arg4[%add3A, %dma_start3A_35, %dma_start3A_36] : memref<32x4x128xi32, #tpu.memory_space<hbm>> -> memref<1x4x128xi32, #tpu.memory_space<hbm>>
      %dma_start3A_38 = tpu.memref_squeeze %dma_start3A_37 : memref<1x4x128xi32, #tpu.memory_space<hbm>> -> memref<4x128xi32, #tpu.memory_space<hbm>>
      tpu.enqueue_dma source(%dma_start3A_38 : memref<4x128xi32, #tpu.memory_space<hbm>>) target(%arg8 : memref<4x128xi32, #tpu.memory_space<vmem>>) target_semaphore(%run_scoped3A : memref<!tpu.dma_semaphore, #tpu.memory_space<semaphore_mem>>)
      %dma_wait3A = arith.constant 0 : i32
      %dma_wait3A_39 = arith.constant 0 : i32
      %dma_wait3A_40 = tpu.memref_slice %arg4[%add3A, %dma_wait3A, %dma_wait3A_39] : memref<32x4x128xi32, #tpu.memory_space<hbm>> -> memref<1x4x128xi32, #tpu.memory_space<hbm>>
      %dma_wait3A_41 = tpu.memref_squeeze %dma_wait3A_40 : memref<1x4x128xi32, #tpu.memory_space<hbm>> -> memref<4x128xi32, #tpu.memory_space<hbm>>
      %dma_wait3A_42 = arith.constant 0 : i32
      %dma_wait3A_43 = arith.constant 0 : i32
      %dma_wait3A_44 = tpu.memref_slice %arg4[%add3A, %dma_wait3A_42, %dma_wait3A_43] : memref<32x4x128xi32, #tpu.memory_space<hbm>> -> memref<1x4x128xi32, #tpu.memory_space<hbm>>
      %dma_wait3A_45 = tpu.memref_squeeze %dma_wait3A_44 : memref<1x4x128xi32, #tpu.memory_space<hbm>> -> memref<4x128xi32, #tpu.memory_space<hbm>>
      tpu.wait_dma2 semaphore(%run_scoped3A : memref<!tpu.dma_semaphore, #tpu.memory_space<semaphore_mem>>) src(%dma_wait3A_45 : memref<4x128xi32, #tpu.memory_space<hbm>>) dst(%arg8 : memref<4x128xi32, #tpu.memory_space<vmem>>)
      tpu.yield
    }) : () -> ()
    "tpu.region"() ({
      %run_scoped3A = tpu.sem_alloc : memref<!tpu.dma_semaphore, #tpu.memory_space<semaphore_mem>>
      %dma_start3A_31 = arith.constant 0 : i32
      %dma_start3A_32 = arith.constant 0 : i32
      %dma_start3A_33 = tpu.memref_slice %arg5[%add3A, %dma_start3A_31, %dma_start3A_32] : memref<32x4x128xi32, #tpu.memory_space<hbm>> -> memref<1x4x128xi32, #tpu.memory_space<hbm>>
      %dma_start3A_34 = tpu.memref_squeeze %dma_start3A_33 : memref<1x4x128xi32, #tpu.memory_space<hbm>> -> memref<4x128xi32, #tpu.memory_space<hbm>>
      %dma_start3A_35 = arith.constant 0 : i32
      %dma_start3A_36 = arith.constant 0 : i32
      %dma_start3A_37 = tpu.memref_slice %arg5[%add3A, %dma_start3A_35, %dma_start3A_36] : memref<32x4x128xi32, #tpu.memory_space<hbm>> -> memref<1x4x128xi32, #tpu.memory_space<hbm>>
      %dma_start3A_38 = tpu.memref_squeeze %dma_start3A_37 : memref<1x4x128xi32, #tpu.memory_space<hbm>> -> memref<4x128xi32, #tpu.memory_space<hbm>>
      tpu.enqueue_dma source(%dma_start3A_38 : memref<4x128xi32, #tpu.memory_space<hbm>>) target(%arg9 : memref<4x128xi32, #tpu.memory_space<vmem>>) target_semaphore(%run_scoped3A : memref<!tpu.dma_semaphore, #tpu.memory_space<semaphore_mem>>)
      %dma_wait3A = arith.constant 0 : i32
      %dma_wait3A_39 = arith.constant 0 : i32
      %dma_wait3A_40 = tpu.memref_slice %arg5[%add3A, %dma_wait3A, %dma_wait3A_39] : memref<32x4x128xi32, #tpu.memory_space<hbm>> -> memref<1x4x128xi32, #tpu.memory_space<hbm>>
      %dma_wait3A_41 = tpu.memref_squeeze %dma_wait3A_40 : memref<1x4x128xi32, #tpu.memory_space<hbm>> -> memref<4x128xi32, #tpu.memory_space<hbm>>
      %dma_wait3A_42 = arith.constant 0 : i32
      %dma_wait3A_43 = arith.constant 0 : i32
      %dma_wait3A_44 = tpu.memref_slice %arg5[%add3A, %dma_wait3A_42, %dma_wait3A_43] : memref<32x4x128xi32, #tpu.memory_space<hbm>> -> memref<1x4x128xi32, #tpu.memory_space<hbm>>
      %dma_wait3A_45 = tpu.memref_squeeze %dma_wait3A_44 : memref<1x4x128xi32, #tpu.memory_space<hbm>> -> memref<4x128xi32, #tpu.memory_space<hbm>>
      tpu.wait_dma2 semaphore(%run_scoped3A : memref<!tpu.dma_semaphore, #tpu.memory_space<semaphore_mem>>) src(%dma_wait3A_45 : memref<4x128xi32, #tpu.memory_space<hbm>>) dst(%arg9 : memref<4x128xi32, #tpu.memory_space<vmem>>)
      tpu.yield
    }) : () -> ()
    %dma_start3A = arith.constant 0 : i32
    %dma_start3A_3 = arith.constant 0 : i32
    %dma_start3A_4 = arith.constant 0 : i32
    %dma_start3A_5 = arith.constant 0 : i32
    %dma_start3A_6 = tpu.memref_slice %arg10[%dma_start3A_3, %dma_start3A_4, %dma_start3A_5] : memref<2x128x128xf32, #tpu.memory_space<vmem>> -> memref<1x128x128xf32, #tpu.memory_space<vmem>>
    %dma_start3A_7 = tpu.memref_squeeze %dma_start3A_6 : memref<1x128x128xf32, #tpu.memory_space<vmem>> -> memref<128x128xf32, #tpu.memory_space<vmem>>
    %dma_start3A_8 = arith.constant 0 : i32
    %dma_start3A_9 = tpu.memref_slice %arg8[%dma_start3A, %dma_start3A_8] : memref<4x128xi32, #tpu.memory_space<vmem>> -> memref<1x128xi32, #tpu.memory_space<vmem>>
    %dma_start3A_10 = tpu.memref_squeeze %dma_start3A_9 : memref<1x128xi32, #tpu.memory_space<vmem>> -> memref<128xi32, #tpu.memory_space<vmem>>
    %dma_start3A_11 = arith.constant 0 : i32
    %dma_start3A_12 = arith.constant 0 : i32
    %dma_start3A_13 = tpu.memref_slice %arg2[%dma_start3A_11, %dma_start3A_12] : memref<10112x128xf32, #tpu.memory_space<hbm>> -> memref<10112x128xf32, #tpu.memory_space<hbm>>
    tpu.enqueue_indirect_dma source(%dma_start3A_13 : memref<10112x128xf32, #tpu.memory_space<hbm>>) target(%dma_start3A_7 : memref<128x128xf32, #tpu.memory_space<vmem>>) offsets(%dma_start3A_10 : memref<128xi32, #tpu.memory_space<vmem>>) semaphore(%arg12 : memref<!tpu.dma_semaphore, #tpu.memory_space<semaphore_mem>>)
    %dma_start3A_14 = arith.constant 0 : i32
    %dma_start3A_15 = arith.constant 0 : i32
    %dma_start3A_16 = arith.constant 0 : i32
    %dma_start3A_17 = arith.constant 0 : i32
    %dma_start3A_18 = tpu.memref_slice %arg11[%dma_start3A_15, %dma_start3A_16, %dma_start3A_17] : memref<2x128x128xf32, #tpu.memory_space<vmem>> -> memref<1x128x128xf32, #tpu.memory_space<vmem>>
    %dma_start3A_19 = tpu.memref_squeeze %dma_start3A_18 : memref<1x128x128xf32, #tpu.memory_space<vmem>> -> memref<128x128xf32, #tpu.memory_space<vmem>>
    %dma_start3A_20 = arith.constant 0 : i32
    %dma_start3A_21 = tpu.memref_slice %arg9[%dma_start3A_14, %dma_start3A_20] : memref<4x128xi32, #tpu.memory_space<vmem>> -> memref<1x128xi32, #tpu.memory_space<vmem>>
    %dma_start3A_22 = tpu.memref_squeeze %dma_start3A_21 : memref<1x128xi32, #tpu.memory_space<vmem>> -> memref<128xi32, #tpu.memory_space<vmem>>
    %dma_start3A_23 = arith.constant 0 : i32
    %dma_start3A_24 = arith.constant 0 : i32
    %dma_start3A_25 = tpu.memref_slice %arg3[%dma_start3A_23, %dma_start3A_24] : memref<10112x128xf32, #tpu.memory_space<hbm>> -> memref<10112x128xf32, #tpu.memory_space<hbm>>
    tpu.enqueue_indirect_dma source(%dma_start3A_25 : memref<10112x128xf32, #tpu.memory_space<hbm>>) target(%dma_start3A_19 : memref<128x128xf32, #tpu.memory_space<vmem>>) offsets(%dma_start3A_22 : memref<128xi32, #tpu.memory_space<vmem>>) semaphore(%arg13 : memref<!tpu.dma_semaphore, #tpu.memory_space<semaphore_mem>>)
    %scan3A = arith.constant 0 : i32
    %scan3A_26 = arith.constant 0 : i32
    %scan3A_27 = arith.constant 4 : i32
    %scan3A_28 = arith.addi %scan3A_26, %scan3A_27 : i32
    %scan3A_29 = arith.constant 1 : i32
    scf.for %scan3A_31 = %scan3A_26 to %scan3A_28 step %scan3A_29  : i32 {
      %rem3A = arith.constant 2 : i32
      %rem3A_32 = arith.remsi %scan3A_31, %rem3A : i32
      %add3A_33 = arith.constant 1 : i32
      %add3A_34 = arith.addi %scan3A_31, %add3A_33 : i32
      %rem3A_35 = arith.constant 2 : i32
      %rem3A_36 = arith.remsi %add3A_34, %rem3A_35 : i32
      %dma_wait3A = arith.constant 0 : i32
      %dma_wait3A_37 = arith.constant 0 : i32
      %dma_wait3A_38 = tpu.memref_slice %arg10[%rem3A_32, %dma_wait3A, %dma_wait3A_37] : memref<2x128x128xf32, #tpu.memory_space<vmem>> -> memref<1x128x128xf32, #tpu.memory_space<vmem>>
      %dma_wait3A_39 = tpu.memref_squeeze %dma_wait3A_38 : memref<1x128x128xf32, #tpu.memory_space<vmem>> -> memref<128x128xf32, #tpu.memory_space<vmem>>
      %dma_wait3A_40 = arith.constant 0 : i32
      %dma_wait3A_41 = tpu.memref_slice %arg8[%scan3A_31, %dma_wait3A_40] : memref<4x128xi32, #tpu.memory_space<vmem>> -> memref<1x128xi32, #tpu.memory_space<vmem>>
      %dma_wait3A_42 = tpu.memref_squeeze %dma_wait3A_41 : memref<1x128xi32, #tpu.memory_space<vmem>> -> memref<128xi32, #tpu.memory_space<vmem>>
      %dma_wait3A_43 = arith.constant 0 : i32
      %dma_wait3A_44 = arith.constant 0 : i32
      %dma_wait3A_45 = tpu.memref_slice %arg2[%dma_wait3A_43, %dma_wait3A_44] : memref<10112x128xf32, #tpu.memory_space<hbm>> -> memref<10112x128xf32, #tpu.memory_space<hbm>>
      tpu.wait_indirect_dma semaphore(%arg12 : memref<!tpu.dma_semaphore, #tpu.memory_space<semaphore_mem>>) src(%dma_wait3A_45 : memref<10112x128xf32, #tpu.memory_space<hbm>>) dst(%dma_wait3A_39 : memref<128x128xf32, #tpu.memory_space<vmem>>)
      %dma_wait3A_46 = arith.constant 0 : i32
      %dma_wait3A_47 = arith.constant 0 : i32
      %dma_wait3A_48 = tpu.memref_slice %arg11[%rem3A_32, %dma_wait3A_46, %dma_wait3A_47] : memref<2x128x128xf32, #tpu.memory_space<vmem>> -> memref<1x128x128xf32, #tpu.memory_space<vmem>>
      %dma_wait3A_49 = tpu.memref_squeeze %dma_wait3A_48 : memref<1x128x128xf32, #tpu.memory_space<vmem>> -> memref<128x128xf32, #tpu.memory_space<vmem>>
      %dma_wait3A_50 = arith.constant 0 : i32
      %dma_wait3A_51 = tpu.memref_slice %arg9[%scan3A_31, %dma_wait3A_50] : memref<4x128xi32, #tpu.memory_space<vmem>> -> memref<1x128xi32, #tpu.memory_space<vmem>>
      %dma_wait3A_52 = tpu.memref_squeeze %dma_wait3A_51 : memref<1x128xi32, #tpu.memory_space<vmem>> -> memref<128xi32, #tpu.memory_space<vmem>>
      %dma_wait3A_53 = arith.constant 0 : i32
      %dma_wait3A_54 = arith.constant 0 : i32
      %dma_wait3A_55 = tpu.memref_slice %arg3[%dma_wait3A_53, %dma_wait3A_54] : memref<10112x128xf32, #tpu.memory_space<hbm>> -> memref<10112x128xf32, #tpu.memory_space<hbm>>
      tpu.wait_indirect_dma semaphore(%arg13 : memref<!tpu.dma_semaphore, #tpu.memory_space<semaphore_mem>>) src(%dma_wait3A_55 : memref<10112x128xf32, #tpu.memory_space<hbm>>) dst(%dma_wait3A_49 : memref<128x128xf32, #tpu.memory_space<vmem>>)
      %add3A_56 = arith.constant 1 : i32
      %add3A_57 = arith.addi %scan3A_31, %add3A_56 : i32
      %lt3A = arith.constant 4 : i32
      %lt3A_58 = arith.cmpi slt, %add3A_57, %lt3A : i32
      %convert_element_type3A = arith.extui %lt3A_58 : i1 to i32
      %cond3A = arith.constant 0 : i32
      %cond3A_59 = arith.cmpi ne, %convert_element_type3A, %cond3A : i32
      scf.if %cond3A_59 {
        %add3A_63 = arith.constant 1 : i32
        %add3A_64 = arith.addi %scan3A_31, %add3A_63 : i32
        %dma_start3A_65 = arith.constant 0 : i32
        %dma_start3A_66 = arith.constant 0 : i32
        %dma_start3A_67 = tpu.memref_slice %arg10[%rem3A_36, %dma_start3A_65, %dma_start3A_66] : memref<2x128x128xf32, #tpu.memory_space<vmem>> -> memref<1x128x128xf32, #tpu.memory_space<vmem>>
        %dma_start3A_68 = tpu.memref_squeeze %dma_start3A_67 : memref<1x128x128xf32, #tpu.memory_space<vmem>> -> memref<128x128xf32, #tpu.memory_space<vmem>>
        %dma_start3A_69 = arith.constant 0 : i32
        %dma_start3A_70 = tpu.memref_slice %arg8[%add3A_64, %dma_start3A_69] : memref<4x128xi32, #tpu.memory_space<vmem>> -> memref<1x128xi32, #tpu.memory_space<vmem>>
        %dma_start3A_71 = tpu.memref_squeeze %dma_start3A_70 : memref<1x128xi32, #tpu.memory_space<vmem>> -> memref<128xi32, #tpu.memory_space<vmem>>
        %dma_start3A_72 = arith.constant 0 : i32
        %dma_start3A_73 = arith.constant 0 : i32
        %dma_start3A_74 = tpu.memref_slice %arg2[%dma_start3A_72, %dma_start3A_73] : memref<10112x128xf32, #tpu.memory_space<hbm>> -> memref<10112x128xf32, #tpu.memory_space<hbm>>
        tpu.enqueue_indirect_dma source(%dma_start3A_74 : memref<10112x128xf32, #tpu.memory_space<hbm>>) target(%dma_start3A_68 : memref<128x128xf32, #tpu.memory_space<vmem>>) offsets(%dma_start3A_71 : memref<128xi32, #tpu.memory_space<vmem>>) semaphore(%arg12 : memref<!tpu.dma_semaphore, #tpu.memory_space<semaphore_mem>>)
        %add3A_75 = arith.constant 1 : i32
        %add3A_76 = arith.addi %scan3A_31, %add3A_75 : i32
        %dma_start3A_77 = arith.constant 0 : i32
        %dma_start3A_78 = arith.constant 0 : i32
        %dma_start3A_79 = tpu.memref_slice %arg11[%rem3A_36, %dma_start3A_77, %dma_start3A_78] : memref<2x128x128xf32, #tpu.memory_space<vmem>> -> memref<1x128x128xf32, #tpu.memory_space<vmem>>
        %dma_start3A_80 = tpu.memref_squeeze %dma_start3A_79 : memref<1x128x128xf32, #tpu.memory_space<vmem>> -> memref<128x128xf32, #tpu.memory_space<vmem>>
        %dma_start3A_81 = arith.constant 0 : i32
        %dma_start3A_82 = tpu.memref_slice %arg9[%add3A_76, %dma_start3A_81] : memref<4x128xi32, #tpu.memory_space<vmem>> -> memref<1x128xi32, #tpu.memory_space<vmem>>
        %dma_start3A_83 = tpu.memref_squeeze %dma_start3A_82 : memref<1x128xi32, #tpu.memory_space<vmem>> -> memref<128xi32, #tpu.memory_space<vmem>>
        %dma_start3A_84 = arith.constant 0 : i32
        %dma_start3A_85 = arith.constant 0 : i32
        %dma_start3A_86 = tpu.memref_slice %arg3[%dma_start3A_84, %dma_start3A_85] : memref<10112x128xf32, #tpu.memory_space<hbm>> -> memref<10112x128xf32, #tpu.memory_space<hbm>>
        tpu.enqueue_indirect_dma source(%dma_start3A_86 : memref<10112x128xf32, #tpu.memory_space<hbm>>) target(%dma_start3A_80 : memref<128x128xf32, #tpu.memory_space<vmem>>) offsets(%dma_start3A_83 : memref<128xi32, #tpu.memory_space<vmem>>) semaphore(%arg13 : memref<!tpu.dma_semaphore, #tpu.memory_space<semaphore_mem>>)
      } else {
      }
      %add3A_60 = arith.addi %mul3A_2, %scan3A_31 : i32
      %mul3A_61 = arith.constant 128 : i32
      %mul3A_62 = arith.muli %add3A_60, %mul3A_61 : i32
      "tpu.region"() ({
        %run_scoped3A = tpu.sem_alloc : memref<!tpu.dma_semaphore, #tpu.memory_space<semaphore_mem>>
        %dma_start3A_63 = arith.constant 0 : i32
        %dma_start3A_64 = arith.constant 0 : i32
        %dma_start3A_65 = tpu.memref_slice %arg10[%rem3A_32, %dma_start3A_63, %dma_start3A_64] : memref<2x128x128xf32, #tpu.memory_space<vmem>> -> memref<1x128x128xf32, #tpu.memory_space<vmem>>
        %dma_start3A_66 = tpu.memref_squeeze %dma_start3A_65 : memref<1x128x128xf32, #tpu.memory_space<vmem>> -> memref<128x128xf32, #tpu.memory_space<vmem>>
        %dma_start3A_67 = arith.constant 0 : i32
        %dma_start3A_68 = tpu.memref_slice %arg6[%mul3A_62, %dma_start3A_67] : memref<16384x128xf32, #tpu.memory_space<hbm>> -> memref<128x128xf32, #tpu.memory_space<hbm>>
        %dma_start3A_69 = arith.constant 0 : i32
        %dma_start3A_70 = tpu.memref_slice %arg6[%mul3A_62, %dma_start3A_69] : memref<16384x128xf32, #tpu.memory_space<hbm>> -> memref<128x128xf32, #tpu.memory_space<hbm>>
        %dma_start3A_71 = arith.constant 0 : i32
        %dma_start3A_72 = arith.constant 0 : i32
        %dma_start3A_73 = tpu.memref_slice %arg10[%rem3A_32, %dma_start3A_71, %dma_start3A_72] : memref<2x128x128xf32, #tpu.memory_space<vmem>> -> memref<1x128x128xf32, #tpu.memory_space<vmem>>
        %dma_start3A_74 = tpu.memref_squeeze %dma_start3A_73 : memref<1x128x128xf32, #tpu.memory_space<vmem>> -> memref<128x128xf32, #tpu.memory_space<vmem>>
        tpu.enqueue_dma source(%dma_start3A_74 : memref<128x128xf32, #tpu.memory_space<vmem>>) target(%dma_start3A_70 : memref<128x128xf32, #tpu.memory_space<hbm>>) target_semaphore(%run_scoped3A : memref<!tpu.dma_semaphore, #tpu.memory_space<semaphore_mem>>)
        %dma_wait3A_75 = arith.constant 0 : i32
        %dma_wait3A_76 = arith.constant 0 : i32
        %dma_wait3A_77 = tpu.memref_slice %arg10[%rem3A_32, %dma_wait3A_75, %dma_wait3A_76] : memref<2x128x128xf32, #tpu.memory_space<vmem>> -> memref<1x128x128xf32, #tpu.memory_space<vmem>>
        %dma_wait3A_78 = tpu.memref_squeeze %dma_wait3A_77 : memref<1x128x128xf32, #tpu.memory_space<vmem>> -> memref<128x128xf32, #tpu.memory_space<vmem>>
        %dma_wait3A_79 = arith.constant 0 : i32
        %dma_wait3A_80 = tpu.memref_slice %arg6[%mul3A_62, %dma_wait3A_79] : memref<16384x128xf32, #tpu.memory_space<hbm>> -> memref<128x128xf32, #tpu.memory_space<hbm>>
        %dma_wait3A_81 = arith.constant 0 : i32
        %dma_wait3A_82 = tpu.memref_slice %arg6[%mul3A_62, %dma_wait3A_81] : memref<16384x128xf32, #tpu.memory_space<hbm>> -> memref<128x128xf32, #tpu.memory_space<hbm>>
        %dma_wait3A_83 = arith.constant 0 : i32
        %dma_wait3A_84 = arith.constant 0 : i32
        %dma_wait3A_85 = tpu.memref_slice %arg10[%rem3A_32, %dma_wait3A_83, %dma_wait3A_84] : memref<2x128x128xf32, #tpu.memory_space<vmem>> -> memref<1x128x128xf32, #tpu.memory_space<vmem>>
        %dma_wait3A_86 = tpu.memref_squeeze %dma_wait3A_85 : memref<1x128x128xf32, #tpu.memory_space<vmem>> -> memref<128x128xf32, #tpu.memory_space<vmem>>
        tpu.wait_dma2 semaphore(%run_scoped3A : memref<!tpu.dma_semaphore, #tpu.memory_space<semaphore_mem>>) src(%dma_wait3A_86 : memref<128x128xf32, #tpu.memory_space<vmem>>) dst(%dma_wait3A_82 : memref<128x128xf32, #tpu.memory_space<hbm>>)
        tpu.yield
      }) : () -> ()
      "tpu.region"() ({
        %run_scoped3A = tpu.sem_alloc : memref<!tpu.dma_semaphore, #tpu.memory_space<semaphore_mem>>
        %dma_start3A_63 = arith.constant 0 : i32
        %dma_start3A_64 = arith.constant 0 : i32
        %dma_start3A_65 = tpu.memref_slice %arg11[%rem3A_32, %dma_start3A_63, %dma_start3A_64] : memref<2x128x128xf32, #tpu.memory_space<vmem>> -> memref<1x128x128xf32, #tpu.memory_space<vmem>>
        %dma_start3A_66 = tpu.memref_squeeze %dma_start3A_65 : memref<1x128x128xf32, #tpu.memory_space<vmem>> -> memref<128x128xf32, #tpu.memory_space<vmem>>
        %dma_start3A_67 = arith.constant 0 : i32
        %dma_start3A_68 = tpu.memref_slice %arg7[%mul3A_62, %dma_start3A_67] : memref<16384x128xf32, #tpu.memory_space<hbm>> -> memref<128x128xf32, #tpu.memory_space<hbm>>
        %dma_start3A_69 = arith.constant 0 : i32
        %dma_start3A_70 = tpu.memref_slice %arg7[%mul3A_62, %dma_start3A_69] : memref<16384x128xf32, #tpu.memory_space<hbm>> -> memref<128x128xf32, #tpu.memory_space<hbm>>
        %dma_start3A_71 = arith.constant 0 : i32
        %dma_start3A_72 = arith.constant 0 : i32
        %dma_start3A_73 = tpu.memref_slice %arg11[%rem3A_32, %dma_start3A_71, %dma_start3A_72] : memref<2x128x128xf32, #tpu.memory_space<vmem>> -> memref<1x128x128xf32, #tpu.memory_space<vmem>>
        %dma_start3A_74 = tpu.memref_squeeze %dma_start3A_73 : memref<1x128x128xf32, #tpu.memory_space<vmem>> -> memref<128x128xf32, #tpu.memory_space<vmem>>
        tpu.enqueue_dma source(%dma_start3A_74 : memref<128x128xf32, #tpu.memory_space<vmem>>) target(%dma_start3A_70 : memref<128x128xf32, #tpu.memory_space<hbm>>) target_semaphore(%run_scoped3A : memref<!tpu.dma_semaphore, #tpu.memory_space<semaphore_mem>>)
        %dma_wait3A_75 = arith.constant 0 : i32
        %dma_wait3A_76 = arith.constant 0 : i32
        %dma_wait3A_77 = tpu.memref_slice %arg11[%rem3A_32, %dma_wait3A_75, %dma_wait3A_76] : memref<2x128x128xf32, #tpu.memory_space<vmem>> -> memref<1x128x128xf32, #tpu.memory_space<vmem>>
        %dma_wait3A_78 = tpu.memref_squeeze %dma_wait3A_77 : memref<1x128x128xf32, #tpu.memory_space<vmem>> -> memref<128x128xf32, #tpu.memory_space<vmem>>
        %dma_wait3A_79 = arith.constant 0 : i32
        %dma_wait3A_80 = tpu.memref_slice %arg7[%mul3A_62, %dma_wait3A_79] : memref<16384x128xf32, #tpu.memory_space<hbm>> -> memref<128x128xf32, #tpu.memory_space<hbm>>
        %dma_wait3A_81 = arith.constant 0 : i32
        %dma_wait3A_82 = tpu.memref_slice %arg7[%mul3A_62, %dma_wait3A_81] : memref<16384x128xf32, #tpu.memory_space<hbm>> -> memref<128x128xf32, #tpu.memory_space<hbm>>
        %dma_wait3A_83 = arith.constant 0 : i32
        %dma_wait3A_84 = arith.constant 0 : i32
        %dma_wait3A_85 = tpu.memref_slice %arg11[%rem3A_32, %dma_wait3A_83, %dma_wait3A_84] : memref<2x128x128xf32, #tpu.memory_space<vmem>> -> memref<1x128x128xf32, #tpu.memory_space<vmem>>
        %dma_wait3A_86 = tpu.memref_squeeze %dma_wait3A_85 : memref<1x128x128xf32, #tpu.memory_space<vmem>> -> memref<128x128xf32, #tpu.memory_space<vmem>>
        tpu.wait_dma2 semaphore(%run_scoped3A : memref<!tpu.dma_semaphore, #tpu.memory_space<semaphore_mem>>) src(%dma_wait3A_86 : memref<128x128xf32, #tpu.memory_space<vmem>>) dst(%dma_wait3A_82 : memref<128x128xf32, #tpu.memory_space<hbm>>)
        tpu.yield
      }) : () -> ()
    }
    %scan3A_30 = arith.constant 4 : i32
    return
  }
}

module attributes {stable_mosaic.version = 14 : i64} {
  func.func @_prep_body(%arg0: memref<10000x128xf32, #tpu.memory_space<vmem>>, %arg1: memref<128x128xf32, #tpu.memory_space<vmem>>, %arg2: memref<1280x256xf32, #tpu.memory_space<vmem>>, %arg3: memref<1280x256xf32, #tpu.memory_space<vmem>>, %arg4: memref<768x128xf32, #tpu.memory_space<vmem>>, %arg5: memref<1x256xf32, #tpu.memory_space<vmem>>, %arg6: memref<1x256xf32, #tpu.memory_space<vmem>>, %arg7: memref<1x128xf32, #tpu.memory_space<vmem>>, %arg8: memref<10000x128xf32, #tpu.memory_space<vmem>>, %arg9: memref<1280x128xf32, #tpu.memory_space<vmem>>, %arg10: memref<1280x128xf32, #tpu.memory_space<vmem>>, %arg11: memref<1x128xf32, #tpu.memory_space<vmem>>) attributes {dimension_semantics = [], scalar_prefetch = 0 : i64, scratch_operands = 0 : i64, tpu.core_type = #tpu.core_type<tc>} {
    %get3A = arith.constant 0 : index
    %get3A_0 = arith.constant 0 : index
    %get3A_1 = vector.load %arg0[%get3A, %get3A_0] : memref<10000x128xf32, #tpu.memory_space<vmem>>, vector<10000x128xf32>
    %get3A_2 = arith.constant 0 : index
    %get3A_3 = arith.constant 0 : index
    %get3A_4 = vector.load %arg1[%get3A_2, %get3A_3] : memref<128x128xf32, #tpu.memory_space<vmem>>, vector<128x128xf32>
    %dot_general3A = arith.constant dense<0.000000e+00> : vector<10000x128xf32>
    %dot_general3A_5 = tpu.matmul %get3A_1, %get3A_4, %dot_general3A {dimension_numbers = #tpu.dot_dimension_numbers<[1], [0], [0], [1], [0, 0, 1, 1], [], []>, transpose_lhs_hint = false} : vector<10000x128xf32>, vector<128x128xf32>, vector<10000x128xf32> -> vector<10000x128xf32>
    %swap3A = arith.constant 0 : index
    %swap3A_6 = arith.constant 0 : index
    %swap3A_7 = vector.load %arg8[%swap3A, %swap3A_6] : memref<10000x128xf32, #tpu.memory_space<vmem>>, vector<10000x128xf32>
    tpu.vector_store %arg8[%swap3A, %swap3A_6], %dot_general3A_5 {strides = array<i32>} : memref<10000x128xf32, #tpu.memory_space<vmem>>, vector<10000x128xf32>,
    %get3A_8 = arith.constant 256 : index
    %get3A_9 = arith.constant 0 : index
    %get3A_10 = vector.load %arg4[%get3A_8, %get3A_9] : memref<768x128xf32, #tpu.memory_space<vmem>>, vector<256x128xf32>
    %get3A_11 = arith.constant 512 : index
    %get3A_12 = arith.constant 0 : index
    %get3A_13 = vector.load %arg4[%get3A_11, %get3A_12] : memref<768x128xf32, #tpu.memory_space<vmem>>, vector<256x128xf32>
    %get3A_14 = arith.constant 0 : index
    %get3A_15 = arith.constant 0 : index
    %get3A_16 = vector.load %arg2[%get3A_14, %get3A_15] : memref<1280x256xf32, #tpu.memory_space<vmem>>, vector<1280x256xf32>
    %dot_general3A_17 = arith.constant dense<0.000000e+00> : vector<1280x128xf32>
    %dot_general3A_18 = tpu.matmul %get3A_16, %get3A_10, %dot_general3A_17 {dimension_numbers = #tpu.dot_dimension_numbers<[1], [0], [0], [1], [0, 0, 1, 1], [], []>, transpose_lhs_hint = false} : vector<1280x256xf32>, vector<256x128xf32>, vector<1280x128xf32> -> vector<1280x128xf32>
    %swap3A_19 = arith.constant 0 : index
    %swap3A_20 = arith.constant 0 : index
    %swap3A_21 = vector.load %arg9[%swap3A_19, %swap3A_20] : memref<1280x128xf32, #tpu.memory_space<vmem>>, vector<1280x128xf32>
    tpu.vector_store %arg9[%swap3A_19, %swap3A_20], %dot_general3A_18 {strides = array<i32>} : memref<1280x128xf32, #tpu.memory_space<vmem>>, vector<1280x128xf32>,
    %get3A_22 = arith.constant 0 : index
    %get3A_23 = arith.constant 0 : index
    %get3A_24 = vector.load %arg3[%get3A_22, %get3A_23] : memref<1280x256xf32, #tpu.memory_space<vmem>>, vector<1280x256xf32>
    %dot_general3A_25 = arith.constant dense<0.000000e+00> : vector<1280x128xf32>
    %dot_general3A_26 = tpu.matmul %get3A_24, %get3A_13, %dot_general3A_25 {dimension_numbers = #tpu.dot_dimension_numbers<[1], [0], [0], [1], [0, 0, 1, 1], [], []>, transpose_lhs_hint = false} : vector<1280x256xf32>, vector<256x128xf32>, vector<1280x128xf32> -> vector<1280x128xf32>
    %swap3A_27 = arith.constant 0 : index
    %swap3A_28 = arith.constant 0 : index
    %swap3A_29 = vector.load %arg10[%swap3A_27, %swap3A_28] : memref<1280x128xf32, #tpu.memory_space<vmem>>, vector<1280x128xf32>
    tpu.vector_store %arg10[%swap3A_27, %swap3A_28], %dot_general3A_26 {strides = array<i32>} : memref<1280x128xf32, #tpu.memory_space<vmem>>, vector<1280x128xf32>,
    %get3A_30 = arith.constant 0 : index
    %get3A_31 = arith.constant 0 : index
    %get3A_32 = vector.load %arg7[%get3A_30, %get3A_31] : memref<1x128xf32, #tpu.memory_space<vmem>>, vector<1x128xf32>
    %get3A_33 = arith.constant 0 : index
    %get3A_34 = arith.constant 0 : index
    %get3A_35 = vector.load %arg5[%get3A_33, %get3A_34] : memref<1x256xf32, #tpu.memory_space<vmem>>, vector<1x256xf32>
    %dot_general3A_36 = arith.constant dense<0.000000e+00> : vector<1x128xf32>
    %dot_general3A_37 = tpu.matmul %get3A_35, %get3A_10, %dot_general3A_36 {dimension_numbers = #tpu.dot_dimension_numbers<[1], [0], [0], [1], [0, 0, 1, 1], [], []>, transpose_lhs_hint = false} : vector<1x256xf32>, vector<256x128xf32>, vector<1x128xf32> -> vector<1x128xf32>
    %add3A = arith.addf %get3A_32, %dot_general3A_37 : vector<1x128xf32>
    %get3A_38 = arith.constant 0 : index
    %get3A_39 = arith.constant 0 : index
    %get3A_40 = vector.load %arg6[%get3A_38, %get3A_39] : memref<1x256xf32, #tpu.memory_space<vmem>>, vector<1x256xf32>
    %dot_general3A_41 = arith.constant dense<0.000000e+00> : vector<1x128xf32>
    %dot_general3A_42 = tpu.matmul %get3A_40, %get3A_13, %dot_general3A_41 {dimension_numbers = #tpu.dot_dimension_numbers<[1], [0], [0], [1], [0, 0, 1, 1], [], []>, transpose_lhs_hint = false} : vector<1x256xf32>, vector<256x128xf32>, vector<1x128xf32> -> vector<1x128xf32>
    %add3A_43 = arith.addf %add3A, %dot_general3A_42 : vector<1x128xf32>
    %swap3A_44 = arith.constant 0 : index
    %swap3A_45 = arith.constant 0 : index
    %swap3A_46 = vector.load %arg11[%swap3A_44, %swap3A_45] : memref<1x128xf32, #tpu.memory_space<vmem>>, vector<1x128xf32>
    tpu.vector_store %arg11[%swap3A_44, %swap3A_45], %add3A_43 {strides = array<i32>} : memref<1x128xf32, #tpu.memory_space<vmem>>, vector<1x128xf32>,
    return
  }
}

module attributes {stable_mosaic.version = 14 : i64} {
  func.func @_mid_body(%arg0: memref<2x10112x128xf32, #tpu.memory_space<vmem>>, %arg1: memref<128x128xf32, #tpu.memory_space<vmem>>, %arg2: memref<1x128xf32, #tpu.memory_space<vmem>>, %arg3: memref<768x128xf32, #tpu.memory_space<vmem>>, %arg4: memref<10112x128xf32, #tpu.memory_space<vmem>>, %arg5: memref<10112x128xf32, #tpu.memory_space<vmem>>) attributes {dimension_semantics = [], scalar_prefetch = 0 : i64, scratch_operands = 0 : i64, tpu.core_type = #tpu.core_type<tc>} {
    %get3A = arith.constant 0 : index
    %get3A_0 = arith.constant 0 : index
    %get3A_1 = arith.constant 0 : index
    %get3A_2 = vector.load %arg0[%get3A, %get3A_0, %get3A_1] : memref<2x10112x128xf32, #tpu.memory_space<vmem>>, vector<1x10112x128xf32>
    %get3A_3 = vector.shape_cast %get3A_2 : vector<1x10112x128xf32> to vector<10112x128xf32>
    %get3A_4 = arith.constant 1 : index
    %get3A_5 = arith.constant 0 : index
    %get3A_6 = arith.constant 0 : index
    %get3A_7 = vector.load %arg0[%get3A_4, %get3A_5, %get3A_6] : memref<2x10112x128xf32, #tpu.memory_space<vmem>>, vector<1x10112x128xf32>
    %get3A_8 = vector.shape_cast %get3A_7 : vector<1x10112x128xf32> to vector<10112x128xf32>
    %add3A = arith.addf %get3A_3, %get3A_8 : vector<10112x128xf32>
    %get3A_9 = arith.constant 0 : index
    %get3A_10 = arith.constant 0 : index
    %get3A_11 = vector.load %arg1[%get3A_9, %get3A_10] : memref<128x128xf32, #tpu.memory_space<vmem>>, vector<128x128xf32>
    %dot_general3A = arith.constant dense<0.000000e+00> : vector<10112x128xf32>
    %dot_general3A_12 = tpu.matmul %add3A, %get3A_11, %dot_general3A {dimension_numbers = #tpu.dot_dimension_numbers<[1], [0], [0], [1], [0, 0, 1, 1], [], []>, transpose_lhs_hint = false} : vector<10112x128xf32>, vector<128x128xf32>, vector<10112x128xf32> -> vector<10112x128xf32>
    %get3A_13 = arith.constant 0 : index
    %get3A_14 = arith.constant 0 : index
    %get3A_15 = vector.load %arg2[%get3A_13, %get3A_14] : memref<1x128xf32, #tpu.memory_space<vmem>>, vector<1x128xf32>
    %add3A_16 = vector.broadcast %get3A_15 : vector<1x128xf32> to vector<10112x128xf32>
    %add3A_17 = arith.addf %dot_general3A_12, %add3A_16 : vector<10112x128xf32>
    %max3A = arith.constant 0.000000e+00 : f32
    %max3A_18 = vector.broadcast %max3A : f32 to vector<10112x128xf32>
    %max3A_19 = arith.maximumf %add3A_17, %max3A_18 : vector<10112x128xf32>
    %get3A_20 = arith.constant 0 : index
    %get3A_21 = arith.constant 0 : index
    %get3A_22 = vector.load %arg3[%get3A_20, %get3A_21] : memref<768x128xf32, #tpu.memory_space<vmem>>, vector<128x128xf32>
    %dot_general3A_23 = arith.constant dense<0.000000e+00> : vector<10112x128xf32>
    %dot_general3A_24 = tpu.matmul %max3A_19, %get3A_22, %dot_general3A_23 {dimension_numbers = #tpu.dot_dimension_numbers<[1], [0], [0], [1], [0, 0, 1, 1], [], []>, transpose_lhs_hint = false} : vector<10112x128xf32>, vector<128x128xf32>, vector<10112x128xf32> -> vector<10112x128xf32>
    %swap3A = arith.constant 0 : index
    %swap3A_25 = arith.constant 0 : index
    %swap3A_26 = vector.load %arg4[%swap3A, %swap3A_25] : memref<10112x128xf32, #tpu.memory_space<vmem>>, vector<10112x128xf32>
    tpu.vector_store %arg4[%swap3A, %swap3A_25], %dot_general3A_24 {strides = array<i32>} : memref<10112x128xf32, #tpu.memory_space<vmem>>, vector<10112x128xf32>,
    %get3A_27 = arith.constant 128 : index
    %get3A_28 = arith.constant 0 : index
    %get3A_29 = vector.load %arg3[%get3A_27, %get3A_28] : memref<768x128xf32, #tpu.memory_space<vmem>>, vector<128x128xf32>
    %dot_general3A_30 = arith.constant dense<0.000000e+00> : vector<10112x128xf32>
    %dot_general3A_31 = tpu.matmul %max3A_19, %get3A_29, %dot_general3A_30 {dimension_numbers = #tpu.dot_dimension_numbers<[1], [0], [0], [1], [0, 0, 1, 1], [], []>, transpose_lhs_hint = false} : vector<10112x128xf32>, vector<128x128xf32>, vector<10112x128xf32> -> vector<10112x128xf32>
    %swap3A_32 = arith.constant 0 : index
    %swap3A_33 = arith.constant 0 : index
    %swap3A_34 = vector.load %arg5[%swap3A_32, %swap3A_33] : memref<10112x128xf32, #tpu.memory_space<vmem>>, vector<10112x128xf32>
    tpu.vector_store %arg5[%swap3A_32, %swap3A_33], %dot_general3A_31 {strides = array<i32>} : memref<10112x128xf32, #tpu.memory_space<vmem>>, vector<10112x128xf32>,
    return
  }
}

module attributes {stable_mosaic.version = 14 : i64} {
  func.func @_head_body(%arg0: i32, %arg1: memref<1024x128xf32, #tpu.memory_space<vmem>>, %arg2: memref<1024x128xf32, #tpu.memory_space<vmem>>, %arg3: memref<1024x1280xf32, #tpu.memory_space<vmem>>, %arg4: memref<1024x1280xf32, #tpu.memory_space<vmem>>, %arg5: memref<1280x128xf32, #tpu.memory_space<vmem>>, %arg6: memref<1280x128xf32, #tpu.memory_space<vmem>>, %arg7: memref<1x128xf32, #tpu.memory_space<vmem>>, %arg8: memref<128x2xf32, #tpu.memory_space<vmem>>, %arg9: memref<1x2xf32, #tpu.memory_space<vmem>>, %arg10: memref<1024x2xf32, #tpu.memory_space<vmem>>) attributes {dimension_semantics = [#tpu.dimension_semantics<arbitrary>], iteration_bounds = array<i64: 16>, scalar_prefetch = 0 : i64, scratch_operands = 0 : i64, tpu.core_type = #tpu.core_type<tc>, window_params = [{transform_indices = @transform_0, window_bounds = array<i64: 1024, 128>}, {transform_indices = @transform_1, window_bounds = array<i64: 1024, 128>}, {transform_indices = @transform_2, window_bounds = array<i64: 1024, 1280>}, {transform_indices = @transform_3, window_bounds = array<i64: 1024, 1280>}, {pipeline_mode = #tpu.pipeline_mode<synchronous>, transform_indices = @transform_4, window_bounds = array<i64: 1280, 128>}, {pipeline_mode = #tpu.pipeline_mode<synchronous>, transform_indices = @transform_5, window_bounds = array<i64: 1280, 128>}, {pipeline_mode = #tpu.pipeline_mode<synchronous>, transform_indices = @transform_6, window_bounds = array<i64: 1, 128>}, {pipeline_mode = #tpu.pipeline_mode<synchronous>, transform_indices = @transform_7, window_bounds = array<i64: 128, 2>}, {pipeline_mode = #tpu.pipeline_mode<synchronous>, transform_indices = @transform_8, window_bounds = array<i64: 1, 2>}, {transform_indices = @transform_9, window_bounds = array<i64: 1024, 2>}]} {
    %get3A = arith.constant 0 : index
    %get3A_0 = arith.constant 0 : index
    %get3A_1 = vector.load %arg3[%get3A, %get3A_0] : memref<1024x1280xf32, #tpu.memory_space<vmem>>, vector<1024x1280xf32>
    %get3A_2 = arith.constant 0 : index
    %get3A_3 = arith.constant 0 : index
    %get3A_4 = vector.load %arg5[%get3A_2, %get3A_3] : memref<1280x128xf32, #tpu.memory_space<vmem>>, vector<1280x128xf32>
    %dot_general3A = arith.constant dense<0.000000e+00> : vector<1024x128xf32>
    %dot_general3A_5 = tpu.matmul %get3A_1, %get3A_4, %dot_general3A {dimension_numbers = #tpu.dot_dimension_numbers<[1], [0], [0], [1], [0, 0, 1, 1], [], []>, transpose_lhs_hint = false} : vector<1024x1280xf32>, vector<1280x128xf32>, vector<1024x128xf32> -> vector<1024x128xf32>
    %get3A_6 = arith.constant 0 : index
    %get3A_7 = arith.constant 0 : index
    %get3A_8 = vector.load %arg4[%get3A_6, %get3A_7] : memref<1024x1280xf32, #tpu.memory_space<vmem>>, vector<1024x1280xf32>
    %get3A_9 = arith.constant 0 : index
    %get3A_10 = arith.constant 0 : index
    %get3A_11 = vector.load %arg6[%get3A_9, %get3A_10] : memref<1280x128xf32, #tpu.memory_space<vmem>>, vector<1280x128xf32>
    %dot_general3A_12 = arith.constant dense<0.000000e+00> : vector<1024x128xf32>
    %dot_general3A_13 = tpu.matmul %get3A_8, %get3A_11, %dot_general3A_12 {dimension_numbers = #tpu.dot_dimension_numbers<[1], [0], [0], [1], [0, 0, 1, 1], [], []>, transpose_lhs_hint = false} : vector<1024x1280xf32>, vector<1280x128xf32>, vector<1024x128xf32> -> vector<1024x128xf32>
    %add3A = arith.addf %dot_general3A_5, %dot_general3A_13 : vector<1024x128xf32>
    %get3A_14 = arith.constant 0 : index
    %get3A_15 = arith.constant 0 : index
    %get3A_16 = vector.load %arg7[%get3A_14, %get3A_15] : memref<1x128xf32, #tpu.memory_space<vmem>>, vector<1x128xf32>
    %add3A_17 = vector.broadcast %get3A_16 : vector<1x128xf32> to vector<1024x128xf32>
    %add3A_18 = arith.addf %add3A, %add3A_17 : vector<1024x128xf32>
    %get3A_19 = arith.constant 0 : index
    %get3A_20 = arith.constant 0 : index
    %get3A_21 = vector.load %arg1[%get3A_19, %get3A_20] : memref<1024x128xf32, #tpu.memory_space<vmem>>, vector<1024x128xf32>
    %get3A_22 = arith.constant 0 : index
    %get3A_23 = arith.constant 0 : index
    %get3A_24 = vector.load %arg2[%get3A_22, %get3A_23] : memref<1024x128xf32, #tpu.memory_space<vmem>>, vector<1024x128xf32>
    %add3A_25 = arith.addf %get3A_21, %get3A_24 : vector<1024x128xf32>
    %add3A_26 = arith.addf %add3A_25, %add3A_18 : vector<1024x128xf32>
    %max3A = arith.constant 0.000000e+00 : f32
    %max3A_27 = vector.broadcast %max3A : f32 to vector<1024x128xf32>
    %max3A_28 = arith.maximumf %add3A_26, %max3A_27 : vector<1024x128xf32>
    %get3A_29 = arith.constant 0 : index
    %get3A_30 = arith.constant 0 : index
    %get3A_31 = vector.load %arg8[%get3A_29, %get3A_30] : memref<128x2xf32, #tpu.memory_space<vmem>>, vector<128x2xf32>
    %dot_general3A_32 = arith.constant dense<0.000000e+00> : vector<1024x2xf32>
    %dot_general3A_33 = tpu.matmul %max3A_28, %get3A_31, %dot_general3A_32 {dimension_numbers = #tpu.dot_dimension_numbers<[1], [0], [0], [1], [0, 0, 1, 1], [], []>, transpose_lhs_hint = false} : vector<1024x128xf32>, vector<128x2xf32>, vector<1024x2xf32> -> vector<1024x2xf32>
    %get3A_34 = arith.constant 0 : index
    %get3A_35 = arith.constant 0 : index
    %get3A_36 = vector.load %arg9[%get3A_34, %get3A_35] : memref<1x2xf32, #tpu.memory_space<vmem>>, vector<1x2xf32>
    %add3A_37 = vector.broadcast %get3A_36 : vector<1x2xf32> to vector<1024x2xf32>
    %add3A_38 = arith.addf %dot_general3A_33, %add3A_37 : vector<1024x2xf32>
    %swap3A = arith.constant 0 : index
    %swap3A_39 = arith.constant 0 : index
    %swap3A_40 = vector.load %arg10[%swap3A, %swap3A_39] : memref<1024x2xf32, #tpu.memory_space<vmem>>, vector<1024x2xf32>
    tpu.vector_store %arg10[%swap3A, %swap3A_39], %add3A_38 {strides = array<i32>} : memref<1024x2xf32, #tpu.memory_space<vmem>>, vector<1024x2xf32>,
    return
  }
  func.func @transform_0(%arg0: i32) -> (i32, i32) {
    %c0_i32 = arith.constant 0 : i32
    %c0_i32_0 = arith.constant 0 : i32
    return %arg0, %c0_i32 : i32, i32
  }
  func.func @transform_1(%arg0: i32) -> (i32, i32) {
    %c0_i32 = arith.constant 0 : i32
    %c0_i32_0 = arith.constant 0 : i32
    return %arg0, %c0_i32 : i32, i32
  }
  func.func @transform_2(%arg0: i32) -> (i32, i32) {
    %c0_i32 = arith.constant 0 : i32
    %c0_i32_0 = arith.constant 0 : i32
    return %arg0, %c0_i32 : i32, i32
  }
  func.func @transform_3(%arg0: i32) -> (i32, i32) {
    %c0_i32 = arith.constant 0 : i32
    %c0_i32_0 = arith.constant 0 : i32
    return %arg0, %c0_i32 : i32, i32
  }
  func.func @transform_4(%arg0: i32) -> (i32, i32) {
    %c0_i32 = arith.constant 0 : i32
    %c0_i32_0 = arith.constant 0 : i32
    %c0_i32_1 = arith.constant 0 : i32
    return %c0_i32, %c0_i32_0 : i32, i32
  }
  func.func @transform_5(%arg0: i32) -> (i32, i32) {
    %c0_i32 = arith.constant 0 : i32
    %c0_i32_0 = arith.constant 0 : i32
    %c0_i32_1 = arith.constant 0 : i32
    return %c0_i32, %c0_i32_0 : i32, i32
  }
  func.func @transform_6(%arg0: i32) -> (i32, i32) {
    %c0_i32 = arith.constant 0 : i32
    %c0_i32_0 = arith.constant 0 : i32
    %c0_i32_1 = arith.constant 0 : i32
    return %c0_i32, %c0_i32_0 : i32, i32
  }
  func.func @transform_7(%arg0: i32) -> (i32, i32) {
    %c0_i32 = arith.constant 0 : i32
    %c0_i32_0 = arith.constant 0 : i32
    %c0_i32_1 = arith.constant 0 : i32
    return %c0_i32, %c0_i32_0 : i32, i32
  }
  func.func @transform_8(%arg0: i32) -> (i32, i32) {
    %c0_i32 = arith.constant 0 : i32
    %c0_i32_0 = arith.constant 0 : i32
    %c0_i32_1 = arith.constant 0 : i32
    return %c0_i32, %c0_i32_0 : i32, i32
  }
  func.func @transform_9(%arg0: i32) -> (i32, i32) {
    %c0_i32 = arith.constant 0 : i32
    %c0_i32_0 = arith.constant 0 : i32
    return %arg0, %c0_i32 : i32, i32
  }
}

</mosaic_0001>

<sc_bundles>
// kernel: kernel.10.cloned.1.call-start
scs
__scs_entry_jumppad:
0x0: {  	(pc) =	sbr.rel $0x88, $3  }
0x1: {  	(tag) =	ssettag $0x0;
	lr =	simm.s32 $0x1  }
0x2: {  	[smem:$0x3F90] =	sst lr;
	_ =	strace $0xD0000000  }
0x3: {  	_ = 	snop  }
0x4: {  	_ = 	snop  }
0x5: {  	_ = 	snop  }
0x6: {  	_ = 	snop  }
0x7: {  	_ = 	snop  }
__scs_overlays_trampoline_lowered:
0x8: {  	[smem:$0x3F9F] =	sst s0  }
0x9: {  	[smem:$0x3FA0] =	sst s1  }
0xa: {  	[smem:$0x3FA1] =	sst s2  }
0xb: {  	[smem:$0x3FA2] =	sst s3  }
0xc: {  	[smem:$0x3FA3] =	sst s4  }
0xd: {  	[smem:$0x3FA4] =	sst s5  }
0xe: {  	[smem:$0x3FA5] =	sst s6  }
0xf: {  	[smem:$0x3FA6] =	sst s7  }
0x10: {  	[smem:$0x3FA7] =	sst s8  }
0x11: {  	[smem:$0x3FA8] =	sst s9;
	s0 =	simm.s32 @!p0 $0x0  }
0x12: {  	s1 =	sld [smem:$0x3F8E];
	s0 =	simm.s32 @p0 $0x1  }
0x13: {  	[smem:$0x3FA9] =	sst s0;
	s0 =	simm.s32 @!p1 $0x0  }
0x14: {  	s2 =	sld [smem:$0x3F8D];
	s0 =	simm.s32 @p1 $0x1  }
0x15: {  	[smem:$0x3FAA] =	sst s0;
	s0 =	simm.s32 @!p2 $0x0  }
0x16: {  	s3 =	sld [smem:$0x3FDB];
	s0 =	simm.s32 @p2 $0x1  }
0x17: {  	s4 =	simm.s32 $0x1BF5;
	[smem:$0x3FAC] =	sst s0  }
0x18: {  	s0 =	sld [smem:$0x3F8F];
	_ =	swait.ge [sflag:s4], $0x0  }
0x19: {  	s7 =	sld [smem:$0x3F90]  }
0x1a: {  	s8 =	sadd.s32 $0xFFFFE003, lr  }
0x1b: {  	s9 =	sadd.s32 $0xFFFFFEF7, lr;
	s5 =	simm.s32 $0xFFFFFFFF;
	p2 =	slt.u32 s8, $0xFFFFF086  }
0x1c: {  	p1 =	slt.u32 s9, $0xF7A;
	s5 =	simm.s32 @!p2 $0x0  }
0x1d: {  	s5 =	simm.s32 @p1 $0x1;
	p0 =	seq.s32 s7, s2  }
0x1e: {  	s7 =	smul.u32 @!p0 $0xF7A, s2;
	p2 =	seq.s32 @!p0 s5, $0x0  }
0x1f: {  	s9 =	smul.u32 $0xF7A, s1;
	s8 =	simm.s32 @!p0 $0x1BF5;
	p2 =	por !p2, p0  }
0x20: {  	[sflag:s8] =	ssyncset.s32 @!p0 $0xFFFFF086;
	s6 =	sadd.s32 @!p0 s3, s7;
	s7 =	simm.s32 @!p0 $0x108  }
0x21: {  	s3 =	sadd.s32 s3, s9;
	s6 =	sadd.s32 @!p0 $0x88, s6;
	s7 =	simm.s32 @p2 $0x1082  }
0x22: {  	[simem:s7], [sflag:s8] =	dma.local @!p0 [hbm:s6], $0xF7A  }
0x23: {  	s9 =	sor.u32 $0xD0000000, s2;
	s6 =	simm.s32 $0x108;
	_ =	swait.ge @!p0 [sflag:s8], $0x0  }
0x24: {  	s3 =	sadd.s32 $0x88, s3;
	s6 =	simm.s32 @!p1 $0x1082;
	[sflag:s4] =	ssyncset.s32 $0xFFFFF086  }
0x25: {  	[simem:s6], [sflag:s4] =	dma.local [hbm:s3], $0xF7A  }
0x26: {  	[smem:$0x3F90] =	sst s1;
	(tag) =	ssettag s2;
	_ =	strace s9  }
0x27: {  	s1 =	sld [smem:$0x3FA0]  }
0x28: {  	s2 =	sld [smem:$0x3FA1]  }
0x29: {  	s4 =	sld [smem:$0x3FA3]  }
0x2a: {  	p0 =	seq.s32 s5, $0x0;
	s5 =	sld [smem:$0x3FA4]  }
0x2b: {  	s6 =	sld [smem:$0x3FA5]  }
0x2c: {  	s7 =	sld [smem:$0x3FA6]  }
0x2d: {  	s3 =	simm.s32 $0x108;
	s8 =	sld [smem:$0x3FA7]  }
0x2e: {  	s3 =	simm.s32 @!p0 $0x1082;
	s9 =	sld [smem:$0x3FA8]  }
0x2f: {  	lr =	sadd.s32 s0, s3;
	s0 =	sld [smem:$0x3F9F]  }
0x30: {  	s3 =	sld [smem:$0x3FA2]  }
0x31: {  	[smem:$0x3FAB] =	sst s10  }
0x32: {  	s10 =	sld [smem:$0x3FA9];
	_ =	sdelay $0x3  }
0x33: {  	p0 =	seq.s32 s10, $0x1;
	s10 =	sld [smem:$0x3FAB];
	_ =	sdelay $0x3  }
0x34: {  	[smem:$0x3FAB] =	sst s10  }
0x35: {  	s10 =	sld [smem:$0x3FAA];
	_ =	sdelay $0x3  }
0x36: {  	p1 =	seq.s32 s10, $0x1;
	s10 =	sld [smem:$0x3FAB];
	_ =	sdelay $0x3  }
0x37: {  	[smem:$0x3FAB] =	sst s10  }
0x38: {  	s10 =	sld [smem:$0x3FAC]  }
0x39: {  	_ = 	snop;
	(pc) =	sbr.ind lr, $3  }
0x3a: {  	_ = 	snop  }
0x3b: {  	_ = 	snop  }
0x3c: {  	p2 =	seq.s32 s10, $0x1;
	s10 =	sld [smem:$0x3FAB]  }
0x3d: {  	_ =	shalt  }
0x3e: {  	_ =	shalt  }
0x3f: {  	_ =	shalt  }
0x40: {  	_ =	shalt  }
0x41: {  	_ =	shalt  }
0x42: {  	_ =	shalt  }
0x43: {  	_ =	shalt  }
0x44: {  	_ =	shalt  }
0x45: {  	_ =	shalt  }
0x46: {  	_ =	shalt  }
0x47: {  	_ =	shalt  }
0x48: {  	_ =	shalt  }
0x49: {  	_ =	shalt  }
0x4a: {  	_ =	shalt  }
0x4b: {  	_ =	shalt  }
0x4c: {  	_ =	shalt  }
0x4d: {  	_ =	shalt  }
0x4e: {  	_ =	shalt  }
0x4f: {  	_ =	shalt  }
0x50: {  	_ =	shalt  }
0x51: {  	_ =	shalt  }
0x52: {  	_ =	shalt  }
0x53: {  	_ =	shalt  }
0x54: {  	_ =	shalt  }
0x55: {  	_ =	shalt  }
0x56: {  	_ =	shalt  }
0x57: {  	_ =	shalt  }
0x58: {  	_ =	shalt  }
0x59: {  	_ =	shalt  }
0x5a: {  	_ =	shalt  }
0x5b: {  	_ =	shalt  }
0x5c: {  	_ =	shalt  }
0x5d: {  	_ =	shalt  }
0x5e: {  	_ =	shalt  }
0x5f: {  	_ =	shalt  }
0x60: {  	_ =	shalt  }
0x61: {  	_ =	shalt  }
0x62: {  	_ =	shalt  }
0x63: {  	_ =	shalt  }
0x64: {  	_ =	shalt  }
0x65: {  	_ =	shalt  }
0x66: {  	_ =	shalt  }
0x67: {  	_ =	shalt  }
0x68: {  	_ =	shalt  }
0x69: {  	_ =	shalt  }
0x6a: {  	_ =	shalt  }
0x6b: {  	_ =	shalt  }
0x6c: {  	_ =	shalt  }
0x6d: {  	_ =	shalt  }
0x6e: {  	_ =	shalt  }
0x6f: {  	_ =	shalt  }
0x70: {  	_ =	shalt  }
0x71: {  	_ =	shalt  }
0x72: {  	_ =	shalt  }
0x73: {  	_ =	shalt  }
0x74: {  	_ =	shalt  }
0x75: {  	_ =	shalt  }
0x76: {  	_ =	shalt  }
0x77: {  	_ =	shalt  }
0x78: {  	_ =	shalt  }
0x79: {  	_ =	shalt  }
0x7a: {  	_ =	shalt  }
0x7b: {  	_ =	shalt  }
0x7c: {  	_ =	shalt  }
0x7d: {  	_ =	shalt  }
0x7e: {  	_ =	shalt  }
0x7f: {  	_ =	shalt  }
0x80: {  	_ =	shalt  }
0x81: {  	_ =	shalt  }
0x82: {  	_ =	shalt  }
0x83: {  	_ =	shalt  }
0x84: {  	_ =	shalt  }
0x85: {  	_ =	shalt  }
0x86: {  	_ =	shalt  }
0x87: {  	_ =	shalt  }
.Lfunc_end0:
.L_simem_size_0:
called_computation.1_lowered:
.L_overlay_start_0:
0x88: {  	s2 =	sld [smem:$0x3FD9]  }
0x89: {  	s3 =	sld [smem:$0x3FFE];
	_ =	sdelay $0x1  }
0x8a: {  	s1 =	srdreg.scid  }
0x8b: {  	s0 =	sand.u32 $0x1, s1  }
0x8c: {  	s17 =	sshll.u32 s0, $0xA;
	s2 =	sadd.s32 s3, s2  }
0x8d: {  	s2 =	sadd.s32 s2, s17  }
0x8e: {  	[smem:$0x3FB7] =	sst s2  }
0x8f: {  	_ = 	snop  }
0x90: {  	s2 =	sld [smem:$0x3FC7]  }
0x91: {  	s18 =	sld [smem:$0x3FC6];
	(tm) =	ssettm $0x1  }
0x92: {  	s4 =	sld [smem:$0x3FFB];
	_ =	sdelay $0x3  }
0x93: {  	_ =	strace s4  }
0x94: {  	s4 =	sld [smem:$0x3FFC];
	_ =	sdelay $0x3  }
0x95: {  	_ =	strace s4  }
0x96: {  	s4 =	sld [smem:$0x3FFD];
	_ =	sdelay $0x3  }
0x97: {  	_ =	strace s4  }
0x98: {  	_ =	strace $0x8FFFFFFF  }
0x99: {  	s19 =	sld [smem:$0x3FDB];
	_ =	sdelay $0x1  }
0x9a: {  	s5 =	simm.s32 $_scs_section_size  }
0x9b: {  	s6 =	simm.s32 $_size__tile_overlayer_lowered;
	s7 =	simm.s32 $_tile_overlayer_lowered  }
0x9c: {  	s22 =	simm.s32 $0x1BFF;
	s21 =	sshll.u32 s7, $0x1;
	s4 =	sadd.s32 s5, s19  }
0x9d: {  	s8 =	simm.s32 $0x0;
	s20 =	sshll.u32 s6, $0x1;
	s6 =	sadd.s32 s21, s4  }
0x9e: {  	[timem:s8], [sflag:s22] =	dma.local [hbm:s6], s20  }
0x9f: {  	_ =	swait.ge [sflag:s22], s20  }
0xa0: {  	s5 =	ssub.s32 $0x0, s20;
	[sflag:s22] =	ssyncset.done $0x0  }
0xa1: {  	[sflag:s22] =	ssyncadd.s32 s5;
	_ =	sdelay $0x1  }
0xa2: {  	s23 =	simm.s32 $0x1B8B  }
0xa3: {  	_ =	swait.ge [sflag:s23], $0x1  }
0xa4: {  	[sflag:s23] =	ssyncset.done $0x0  }
0xa5: {  	s25 =	simm.s32 $0x1B8E;
	s24 =	sld [smem:$0x3FFE];
	[sflag:s23] =	ssyncadd.s32 $0xFFFFFFFF  }
0xa6: {  	s26 =	simm.s32 $execute0_lowered;
	[smem:$0x3FD2] =	sst s25  }
0xa7: {  	s6 =	sshll.u32 s26, $0x1;
	_ =	strace $0x80000049;
	[dreg:$0x1] =	wrdreg $0xFFFFFFFF  }
0xa8: {  	s28 =	simm.s32 $_size_execute0_lowered;
	s4 =	sadd.s32 s4, s6;
	[dreg:$0x0] =	wrdreg $0x0  }
0xa9: {  	s6 =	sshll.u32 s28, $0x1;
	[dreg:$0x2] =	wrdreg s4  }
0xaa: {  	[dreg:$0x3] =	wrdreg s6  }
0xab: {  	[dreg:$0x4] =	wrdreg $0xC0  }
0xac: {  	_ =	task [dreg:s8], $0x5FFFF  }
0xad: {  	[dreg:$0x1] =	wrdreg $0xFFFFFFFF  }
0xae: {  	[dreg:$0x0] =	wrdreg $0x60  }
0xaf: {  	[dreg:$0x2] =	wrdreg s24  }
0xb0: {  	[dreg:$0x3] =	wrdreg s2  }
0xb1: {  	[dreg:$0x4] =	wrdreg s18  }
0xb2: {  	[dreg:$0x5] =	wrdreg $0x9  }
0xb3: {  	_ =	task.clear_ibuf [dreg:s8], $0x6FFFF;
	_ =	strace $0x90000049  }
0xb4: {  	s29 =	simm.s32 $0x9;
	_ =	strace $0x8000004B  }
0xb5: {  	_ =	swait.ge [sflag:s29], $0x1  }
0xb6: {  	[sflag:s29] =	ssyncadd.s32 $0xFFFFFFFF  }
0xb7: {  	_ =	strace $0x9000004B  }
0xb8: {  	_ =	sfence  }
0xb9: {  	s30 =	sld [smem:$0x0];
	_ =	sdelay $0x2  }
0xba: {  	s31 =	sshll.u32 s1, $0xD;
	s1 =	sshrl.u32 s1, $0x2  }
0xbb: {  	s3 =	sand.u32 $0x4000, s31;
	s1 =	sadd.s32 s1, s30  }
0xbc: {  	s0 =	sor.u32 s3, s0;
	s1 =	sshll.u32 s1, $0x11  }
0xbd: {  	s0 =	sor.u32 s1, s0  }
0xbe: {  	s0 =	sadd.s32 $0x8F2B, s0  }
0xbf: {  	[sflag:s0] =	ssyncadd.remote.s32 $0x1  }
0xc0: {  	_ =	sfence.sel $0xFFFF  }
0xc1: {  	[dreg:$0x0] =	wrdreg $0xFFFFFFFF;
	(pc) =	sbr.abs _section_cstart, $3  }
0xc2: {  	[dreg:$0x1] =	wrdreg $0xFFFFFFFF  }
0xc3: {  	_ =	task.clear_ibuf [dreg:s8], $0x2FFFF;
	_ =	strace $0x9FFFFFFF  }
0xc4: {  	(tm) =	ssettm $0x7FFFFFFF  }
0xc5: {  	_ =	shalt  }
tec
execute0_lowered:
.L_overlay_start_1:
0x0: {  	(tag) =	ssettag $0x1  }
0x1: {  	s0 =	srdreg.scid  }
0x2: {  	s18 =	rddreg [dreg:$0x0];
	s28 =	sand.u32 $0x1, s0  }
0x3: {  	s3 =	rddreg [dreg:$0x1];
	s1 =	stileid.u32;
	s4 =	sshll.u32 s28, $0x4  }
0x4: {  	s5 =	rddreg [dreg:$0x2];
	s2 =	simm.s32 $0x0;
	s15 =	sor.u32 s1, s4  }
0x5: {  	[smem:$0x7FF] =	sst s2;
	s6 =	sshll.u32 s15, $0x6  }
0x6: {  	_ =	strace $0x8000004A;
	s4 =	sadd.s32 s3, s6;
	s3 =	simm.s32 $0x3  }
0x7: {  	[tilespmem:s2], [sflag:$0x3] =	stream.linear.gather [hbm4b:s4+s2], $0x200, $0x38;
	[tilespmem:$0x10400] =	vst v63  }
0x8: {  	_ =	swait.ge [sflag:s3], $0x200  }
0x9: {  	[sflag:s3] =	ssyncset.done $0x0  }
0xa: {  	s5 =	sadd.s32 s5, s6;
	s6 =	simm.s32 $0x200;
	[sflag:s3] =	ssyncadd.s32 $0xFFFFFE00  }
0xb: {  	[tilespmem:s6], [sflag:$0x3] =	stream.linear.gather [hbm4b:s5+s2], $0x200, $0x38;
	[tilespmem:$0x10400] =	vst v63  }
0xc: {  	_ =	swait.ge [sflag:s3], $0x200  }
0xd: {  	s8 =	simm.s32 $0x80;
	[sflag:s3] =	ssyncset.done $0x0  }
0xe: {  	s9 =	simm.s32 $0x400;
	s7 =	sadd.s32 $0x3200, s18;
	[sflag:s3] =	ssyncadd.s32 $0xFFFFFE00  }
0xf: {  	[tilespmem:s9], [sflag:$0x1] =	stream.indirect.gather [hbm4b:s7+s8], $0x80, s2, s8, $0xb8;
	[tilespmem:$0x10400] =	vst v63  }
0x10: {  	s11 =	simm.s32 $0x8400;
	s12 =	simm.s32 $0x1;
	s10 =	sadd.s32 $0x2AA00, s18  }
0x11: {  	[tilespmem:s11], [sflag:$0x2] =	stream.indirect.gather [hbm4b:s10+s8], $0x80, s6, s8, $0xb8;
	[tilespmem:$0x10400] =	vst v63  }
0x12: {  	_ =	swait.ge [sflag:s12], $0x4000  }
0x13: {  	[sflag:s12] =	ssyncset.done $0x0  }
0x14: {  	s13 =	simm.s32 $0x2;
	[sflag:s12] =	ssyncadd.s32 $0xFFFFC000  }
0x15: {  	_ =	swait.ge [sflag:s13], $0x4000  }
0x16: {  	[sflag:s13] =	ssyncset.done $0x0  }
0x17: {  	s14 =	simm.s32 $0x4400;
	s16 =	simm.s32 $0xC400;
	[sflag:s13] =	ssyncadd.s32 $0xFFFFC000  }
0x18: {  	[tilespmem:s14], [sflag:$0x1] =	stream.indirect.gather [hbm4b:s7+s8], $0x80, s8, s8, $0xb8;
	[tilespmem:$0x10400] =	vst v63  }
0x19: {  	s29 =	sadd.s32 $0x52200, s18;
	s31 =	sshll.u32 s15, $0xD;
	s15 =	simm.s32 $0x280  }
0x1a: {  	[tilespmem:s16], [sflag:$0x2] =	stream.indirect.gather [hbm4b:s10+s8], $0x80, s15, s8, $0xb8;
	[tilespmem:$0x10400] =	vst v63  }
0x1b: {  	s17 =	sadd.s32 s29, s31  }
0x1c: {  	[hbm4b:s17+s2] =	stream.linear.scatter [tilespmem:s9], [sflag:$0x3], $0x4000, $0x38;
	[tilespmem:$0x10400] =	vst v63  }
0x1d: {  	_ =	swait.ge [sflag:s3], $0x4000  }
0x1e: {  	s30 =	sadd.s32 $0x92200, s18;
	[sflag:s3] =	ssyncset.done $0x0  }
0x1f: {  	s18 =	sadd.s32 s30, s31;
	[sflag:s3] =	ssyncadd.s32 $0xFFFFC000  }
0x20: {  	[hbm4b:s18+s2] =	stream.linear.scatter [tilespmem:s11], [sflag:$0x3], $0x4000, $0x38;
	[tilespmem:$0x10400] =	vst v63  }
0x21: {  	_ =	swait.ge [sflag:s3], $0x4000  }
0x22: {  	[sflag:s3] =	ssyncset.done $0x0  }
0x23: {  	[sflag:s3] =	ssyncadd.s32 $0xFFFFC000  }
0x24: {  	_ =	swait.ge [sflag:s12], $0x4000  }
0x25: {  	[sflag:s12] =	ssyncset.done $0x0  }
0x26: {  	[sflag:s12] =	ssyncadd.s32 $0xFFFFC000  }
0x27: {  	_ =	swait.ge [sflag:s13], $0x4000  }
0x28: {  	[sflag:s13] =	ssyncset.done $0x0  }
0x29: {  	s19 =	simm.s32 $0x100;
	[sflag:s13] =	ssyncadd.s32 $0xFFFFC000  }
0x2a: {  	[tilespmem:s9], [sflag:$0x1] =	stream.indirect.gather [hbm4b:s7+s8], $0x80, s19, s8, $0xb8;
	[tilespmem:$0x10400] =	vst v63  }
0x2b: {  	s20 =	simm.s32 $0x300;
	s22 =	sor.u32 $0x800, s31  }
0x2c: {  	[tilespmem:s11], [sflag:$0x2] =	stream.indirect.gather [hbm4b:s10+s8], $0x80, s20, s8, $0xb8;
	[tilespmem:$0x10400] =	vst v63  }
0x2d: {  	s21 =	sadd.s32 s29, s22  }
0x2e: {  	[hbm4b:s21+s2] =	stream.linear.scatter [tilespmem:s14], [sflag:$0x3], $0x4000, $0x38;
	[tilespmem:$0x10400] =	vst v63  }
0x2f: {  	_ =	swait.ge [sflag:s3], $0x4000  }
0x30: {  	[sflag:s3] =	ssyncset.done $0x0  }
0x31: {  	s22 =	sadd.s32 s30, s22;
	[sflag:s3] =	ssyncadd.s32 $0xFFFFC000  }
0x32: {  	[hbm4b:s22+s2] =	stream.linear.scatter [tilespmem:s16], [sflag:$0x3], $0x4000, $0x38;
	[tilespmem:$0x10400] =	vst v63  }
0x33: {  	_ =	swait.ge [sflag:s3], $0x4000  }
0x34: {  	[sflag:s3] =	ssyncset.done $0x0  }
0x35: {  	[sflag:s3] =	ssyncadd.s32 $0xFFFFC000  }
0x36: {  	_ =	swait.ge [sflag:s12], $0x4000  }
0x37: {  	[sflag:s12] =	ssyncset.done $0x0  }
0x38: {  	[sflag:s12] =	ssyncadd.s32 $0xFFFFC000  }
0x39: {  	_ =	swait.ge [sflag:s13], $0x4000  }
0x3a: {  	[sflag:s13] =	ssyncset.done $0x0  }
0x3b: {  	s23 =	simm.s32 $0x180;
	[sflag:s13] =	ssyncadd.s32 $0xFFFFC000  }
0x3c: {  	[tilespmem:s14], [sflag:$0x1] =	stream.indirect.gather [hbm4b:s7+s8], $0x80, s23, s8, $0xb8;
	[tilespmem:$0x10400] =	vst v63  }
0x3d: {  	s24 =	simm.s32 $0x380;
	s26 =	sor.u32 $0x1000, s31  }
0x3e: {  	[tilespmem:s16], [sflag:$0x2] =	stream.indirect.gather [hbm4b:s10+s8], $0x80, s24, s8, $0xb8;
	[tilespmem:$0x10400] =	vst v63  }
0x3f: {  	s25 =	sadd.s32 s29, s26  }
0x40: {  	[hbm4b:s25+s2] =	stream.linear.scatter [tilespmem:s9], [sflag:$0x3], $0x4000, $0x38;
	[tilespmem:$0x10400] =	vst v63  }
0x41: {  	_ =	swait.ge [sflag:s3], $0x4000  }
0x42: {  	[sflag:s3] =	ssyncset.done $0x0  }
0x43: {  	s26 =	sadd.s32 s30, s26;
	[sflag:s3] =	ssyncadd.s32 $0xFFFFC000  }
0x44: {  	[hbm4b:s26+s2] =	stream.linear.scatter [tilespmem:s11], [sflag:$0x3], $0x4000, $0x38;
	[tilespmem:$0x10400] =	vst v63  }
0x45: {  	_ =	swait.ge [sflag:s3], $0x4000  }
0x46: {  	[sflag:s3] =	ssyncset.done $0x0  }
0x47: {  	[sflag:s3] =	ssyncadd.s32 $0xFFFFC000  }
0x48: {  	_ =	swait.ge [sflag:s12], $0x4000  }
0x49: {  	[sflag:s12] =	ssyncset.done $0x0  }
0x4a: {  	s0 =	ssub.s32 $0x2, s28;
	s31 =	sor.u32 $0x1800, s31;
	[sflag:s12] =	ssyncadd.s32 $0xFFFFC000  }
0x4b: {  	s28 =	sadd.s32 s29, s31;
	s29 =	sshrl.u32 s0, $0x1;
	_ =	swait.ge [sflag:s13], $0x4000  }
0x4c: {  	s0 =	ssub.s32 s0, s29;
	[sflag:s13] =	ssyncset.done $0x0  }
0x4d: {  	s0 =	smax.u32 s0, $0x1;
	[sflag:s13] =	ssyncadd.s32 $0xFFFFC000  }
0x4e: {  	[hbm4b:s28+s2] =	stream.linear.scatter [tilespmem:s14], [sflag:$0x3], $0x4000, $0x38;
	[tilespmem:$0x10400] =	vst v63  }
0x4f: {  	p0 =	sne.s32 s0, $0x1;
	_ =	swait.ge [sflag:s3], $0x4000  }
.Ltmp0:
0x50: {  	[sflag:s3] =	ssyncset.done $0x0;
	(pc) =	sbr.rel @!p0 .LBB2_2-.Ltmp0, $4  }
0x51: {  	s29 =	sadd.s32 s30, s31;
	[sflag:s3] =	ssyncadd.s32 $0xFFFFC000  }
0x52: {  	[hbm4b:s29+s2] =	stream.linear.scatter [tilespmem:s16], [sflag:$0x3], $0x4000, $0x38;
	[tilespmem:$0x10400] =	vst v63  }
0x53: {  	_ =	swait.ge [sflag:s3], $0x4000  }
0x54: {  	s30 =	sadd.s32 $0xFFFFFFFF, s0;
	[sflag:s3] =	ssyncset.done $0x0  }
.LBB2_1:
0x55: {  	p0 =	sne.s32 s30, $0x1;
	s30 =	sadd.s32 $0xFFFFFFFF, s30;
	[sflag:s3] =	ssyncadd.s32 $0xFFFFC000  }
0x56: {  	[tilespmem:s2], [sflag:$0x3] =	stream.linear.gather [hbm4b:s4+s2], $0x200, $0x38;
	[tilespmem:$0x10400] =	vst v63  }
0x57: {  	_ =	swait.ge [sflag:s3], $0x200  }
0x58: {  	[sflag:s3] =	ssyncset.done $0x0  }
0x59: {  	[sflag:s3] =	ssyncadd.s32 $0xFFFFFE00  }
0x5a: {  	[tilespmem:s6], [sflag:$0x3] =	stream.linear.gather [hbm4b:s5+s2], $0x200, $0x38;
	[tilespmem:$0x10400] =	vst v63  }
0x5b: {  	_ =	swait.ge [sflag:s3], $0x200  }
0x5c: {  	[sflag:s3] =	ssyncset.done $0x0  }
0x5d: {  	[sflag:s3] =	ssyncadd.s32 $0xFFFFFE00  }
0x5e: {  	[tilespmem:s9], [sflag:$0x1] =	stream.indirect.gather [hbm4b:s7+s8], $0x80, s2, s8, $0xb8;
	[tilespmem:$0x10400] =	vst v63  }
0x5f: {  	_ = 	snop  }
0x60: {  	[tilespmem:s11], [sflag:$0x2] =	stream.indirect.gather [hbm4b:s10+s8], $0x80, s6, s8, $0xb8;
	[tilespmem:$0x10400] =	vst v63  }
0x61: {  	_ =	swait.ge [sflag:s12], $0x4000  }
0x62: {  	[sflag:s12] =	ssyncset.done $0x0  }
0x63: {  	[sflag:s12] =	ssyncadd.s32 $0xFFFFC000  }
0x64: {  	_ =	swait.ge [sflag:s13], $0x4000  }
0x65: {  	[sflag:s13] =	ssyncset.done $0x0  }
0x66: {  	[sflag:s13] =	ssyncadd.s32 $0xFFFFC000  }
0x67: {  	[tilespmem:s14], [sflag:$0x1] =	stream.indirect.gather [hbm4b:s7+s8], $0x80, s8, s8, $0xb8;
	[tilespmem:$0x10400] =	vst v63  }
0x68: {  	_ = 	snop  }
0x69: {  	[tilespmem:s16], [sflag:$0x2] =	stream.indirect.gather [hbm4b:s10+s8], $0x80, s15, s8, $0xb8;
	[tilespmem:$0x10400] =	vst v63  }
0x6a: {  	_ = 	snop  }
0x6b: {  	[hbm4b:s17+s2] =	stream.linear.scatter [tilespmem:s9], [sflag:$0x3], $0x4000, $0x38;
	[tilespmem:$0x10400] =	vst v63  }
0x6c: {  	_ =	swait.ge [sflag:s3], $0x4000  }
0x6d: {  	[sflag:s3] =	ssyncset.done $0x0  }
0x6e: {  	[sflag:s3] =	ssyncadd.s32 $0xFFFFC000  }
0x6f: {  	[hbm4b:s18+s2] =	stream.linear.scatter [tilespmem:s11], [sflag:$0x3], $0x4000, $0x38;
	[tilespmem:$0x10400] =	vst v63  }
0x70: {  	_ =	swait.ge [sflag:s3], $0x4000  }
0x71: {  	[sflag:s3] =	ssyncset.done $0x0  }
0x72: {  	[sflag:s3] =	ssyncadd.s32 $0xFFFFC000  }
0x73: {  	_ =	swait.ge [sflag:s12], $0x4000  }
0x74: {  	[sflag:s12] =	ssyncset.done $0x0  }
0x75: {  	[sflag:s12] =	ssyncadd.s32 $0xFFFFC000  }
0x76: {  	_ =	swait.ge [sflag:s13], $0x4000  }
0x77: {  	[sflag:s13] =	ssyncset.done $0x0  }
0x78: {  	[sflag:s13] =	ssyncadd.s32 $0xFFFFC000  }
0x79: {  	[tilespmem:s9], [sflag:$0x1] =	stream.indirect.gather [hbm4b:s7+s8], $0x80, s19, s8, $0xb8;
	[tilespmem:$0x10400] =	vst v63  }
0x7a: {  	_ = 	snop  }
0x7b: {  	[tilespmem:s11], [sflag:$0x2] =	stream.indirect.gather [hbm4b:s10+s8], $0x80, s20, s8, $0xb8;
	[tilespmem:$0x10400] =	vst v63  }
0x7c: {  	_ = 	snop  }
0x7d: {  	[hbm4b:s21+s2] =	stream.linear.scatter [tilespmem:s14], [sflag:$0x3], $0x4000, $0x38;
	[tilespmem:$0x10400] =	vst v63  }
0x7e: {  	_ =	swait.ge [sflag:s3], $0x4000  }
0x7f: {  	[sflag:s3] =	ssyncset.done $0x0  }
0x80: {  	[sflag:s3] =	ssyncadd.s32 $0xFFFFC000  }
0x81: {  	[hbm4b:s22+s2] =	stream.linear.scatter [tilespmem:s16], [sflag:$0x3], $0x4000, $0x38;
	[tilespmem:$0x10400] =	vst v63  }
0x82: {  	_ =	swait.ge [sflag:s3], $0x4000  }
0x83: {  	[sflag:s3] =	ssyncset.done $0x0  }
0x84: {  	[sflag:s3] =	ssyncadd.s32 $0xFFFFC000  }
0x85: {  	_ =	swait.ge [sflag:s12], $0x4000  }
0x86: {  	[sflag:s12] =	ssyncset.done $0x0  }
0x87: {  	[sflag:s12] =	ssyncadd.s32 $0xFFFFC000  }
0x88: {  	_ =	swait.ge [sflag:s13], $0x4000  }
0x89: {  	[sflag:s13] =	ssyncset.done $0x0  }
0x8a: {  	[sflag:s13] =	ssyncadd.s32 $0xFFFFC000  }
0x8b: {  	[tilespmem:s14], [sflag:$0x1] =	stream.indirect.gather [hbm4b:s7+s8], $0x80, s23, s8, $0xb8;
	[tilespmem:$0x10400] =	vst v63  }
0x8c: {  	_ = 	snop  }
0x8d: {  	[tilespmem:s16], [sflag:$0x2] =	stream.indirect.gather [hbm4b:s10+s8], $0x80, s24, s8, $0xb8;
	[tilespmem:$0x10400] =	vst v63  }
0x8e: {  	_ = 	snop  }
0x8f: {  	[hbm4b:s25+s2] =	stream.linear.scatter [tilespmem:s9], [sflag:$0x3], $0x4000, $0x38;
	[tilespmem:$0x10400] =	vst v63  }
0x90: {  	_ =	swait.ge [sflag:s3], $0x4000  }
0x91: {  	[sflag:s3] =	ssyncset.done $0x0  }
0x92: {  	[sflag:s3] =	ssyncadd.s32 $0xFFFFC000  }
0x93: {  	[hbm4b:s26+s2] =	stream.linear.scatter [tilespmem:s11], [sflag:$0x3], $0x4000, $0x38;
	[tilespmem:$0x10400] =	vst v63  }
0x94: {  	_ =	swait.ge [sflag:s3], $0x4000  }
0x95: {  	[sflag:s3] =	ssyncset.done $0x0  }
0x96: {  	[sflag:s3] =	ssyncadd.s32 $0xFFFFC000  }
0x97: {  	_ =	swait.ge [sflag:s12], $0x4000  }
0x98: {  	[sflag:s12] =	ssyncset.done $0x0  }
0x99: {  	[sflag:s12] =	ssyncadd.s32 $0xFFFFC000  }
0x9a: {  	_ =	swait.ge [sflag:s13], $0x4000  }
0x9b: {  	[sflag:s13] =	ssyncset.done $0x0  }
0x9c: {  	[sflag:s13] =	ssyncadd.s32 $0xFFFFC000  }
0x9d: {  	[hbm4b:s28+s2] =	stream.linear.scatter [tilespmem:s14], [sflag:$0x3], $0x4000, $0x38;
	[tilespmem:$0x10400] =	vst v63  }
0x9e: {  	_ =	swait.ge [sflag:s3], $0x4000  }
.Ltmp1:
0x9f: {  	[sflag:s3] =	ssyncset.done $0x0;
	(pc) =	sbr.rel @p0 .LBB2_1-.Ltmp1, $4  }
0xa0: {  	[sflag:s3] =	ssyncadd.s32 $0xFFFFC000  }
0xa1: {  	[hbm4b:s29+s2] =	stream.linear.scatter [tilespmem:s16], [sflag:$0x3], $0x4000, $0x38;
	[tilespmem:$0x10400] =	vst v63  }
0xa2: {  	_ =	swait.ge [sflag:s3], $0x4000  }
0xa3: {  	[sflag:s3] =	ssyncset.done $0x0  }
.LBB2_2:
0xa4: {  	[sflag:s3] =	ssyncadd.s32 $0xFFFFC000  }
0xa5: {  	_ =	sfence.sel $0x180000  }
0xa6: {  	[bflag:$0x0] =	sbarrier.arrive $0xFFFF  }
0xa7: {  	_ =	strace $0x9000004A  }
0xa8: {  	[bflag:$0x2] =	sbarrier.arrive $0xFFFF  }
0xa9: {  	p0 =	sne.s32 s1, $0x0;
	s0 =	rddreg [dreg:$0x3]  }
0xaa: {  	s0 =	sadd.s32 @!p0 $0x100000, s0  }
0xab: {  	[sflag:s0] =	ssyncadd.tile.s32 @!p0 $0x1;
	_ =	shalt  }
.Lfunc_end2:
_tile_overlayer_lowered:
.L_overlay_start_2:
0xac: {  	(tag) =	ssettag $0x2  }
0xad: {  	s0 =	rddreg [dreg:$0x0];
	s2 =	stileid.u32  }
0xae: {  	s1 =	rddreg [dreg:$0x1];
	p0 =	sne.s32 s2, $0x0  }
0xaf: {  	s3 =	rddreg [dreg:$0x2];
	[bflag:$0x3] =	sbarrier.arrive $0xFFFF;
	s2 =	simm.s32 @!p0 $0x1C03  }
0xb0: {  	[timem:s3], [sflag:s2] =	dma.local @!p0 [hbm:s0], s1  }
0xb1: {  	s0 =	simm.s32 @!p0 $0x3  }
0xb2: {  	_ =	swait.ge @!p0 [sflag:s0], s1  }
0xb3: {  	s1 =	ssub.s32 @!p0 $0x0, s1;
	[sflag:s0] =	ssyncset.done @!p0 $0x0  }
0xb4: {  	[sflag:s0] =	ssyncadd.s32 @!p0 s1  }
0xb5: {  	[bflag:$0x3] =	sbarrier.arrive $0xFFFF  }
0xb6: {  	_ =	shalt  }

// kernel: kernel.7.cloned.1.call-start
scs
__scs_entry_jumppad:
0x0: {  	(pc) =	sbr.rel $0x88, $3  }
0x1: {  	(tag) =	ssettag $0x0;
	lr =	simm.s32 $0x1  }
0x2: {  	[smem:$0x3F90] =	sst lr;
	_ =	strace $0xD0000000  }
0x3: {  	_ = 	snop  }
0x4: {  	_ = 	snop  }
0x5: {  	_ = 	snop  }
0x6: {  	_ = 	snop  }
0x7: {  	_ = 	snop  }
__scs_overlays_trampoline_lowered:
0x8: {  	[smem:$0x3F9F] =	sst s0  }
0x9: {  	[smem:$0x3FA0] =	sst s1  }
0xa: {  	[smem:$0x3FA1] =	sst s2  }
0xb: {  	[smem:$0x3FA2] =	sst s3  }
0xc: {  	[smem:$0x3FA3] =	sst s4  }
0xd: {  	[smem:$0x3FA4] =	sst s5  }
0xe: {  	[smem:$0x3FA5] =	sst s6  }
0xf: {  	[smem:$0x3FA6] =	sst s7  }
0x10: {  	[smem:$0x3FA7] =	sst s8  }
0x11: {  	[smem:$0x3FA8] =	sst s9;
	s0 =	simm.s32 @!p0 $0x0  }
0x12: {  	s1 =	sld [smem:$0x3F8E];
	s0 =	simm.s32 @p0 $0x1  }
0x13: {  	[smem:$0x3FA9] =	sst s0;
	s0 =	simm.s32 @!p1 $0x0  }
0x14: {  	s2 =	sld [smem:$0x3F8D];
	s0 =	simm.s32 @p1 $0x1  }
0x15: {  	[smem:$0x3FAA] =	sst s0;
	s0 =	simm.s32 @!p2 $0x0  }
0x16: {  	s3 =	sld [smem:$0x3FDB];
	s0 =	simm.s32 @p2 $0x1  }
0x17: {  	s4 =	simm.s32 $0x1BF5;
	[smem:$0x3FAC] =	sst s0  }
0x18: {  	s0 =	sld [smem:$0x3F8F];
	_ =	swait.ge [sflag:s4], $0x0  }
0x19: {  	s7 =	sld [smem:$0x3F90]  }
0x1a: {  	s8 =	sadd.s32 $0xFFFFE003, lr  }
0x1b: {  	s9 =	sadd.s32 $0xFFFFFEF7, lr;
	s5 =	simm.s32 $0xFFFFFFFF;
	p2 =	slt.u32 s8, $0xFFFFF086  }
0x1c: {  	p1 =	slt.u32 s9, $0xF7A;
	s5 =	simm.s32 @!p2 $0x0  }
0x1d: {  	s5 =	simm.s32 @p1 $0x1;
	p0 =	seq.s32 s7, s2  }
0x1e: {  	s7 =	smul.u32 @!p0 $0xF7A, s2;
	p2 =	seq.s32 @!p0 s5, $0x0  }
0x1f: {  	s9 =	smul.u32 $0xF7A, s1;
	s8 =	simm.s32 @!p0 $0x1BF5;
	p2 =	por !p2, p0  }
0x20: {  	[sflag:s8] =	ssyncset.s32 @!p0 $0xFFFFF086;
	s6 =	sadd.s32 @!p0 s3, s7;
	s7 =	simm.s32 @!p0 $0x108  }
0x21: {  	s3 =	sadd.s32 s3, s9;
	s6 =	sadd.s32 @!p0 $0x88, s6;
	s7 =	simm.s32 @p2 $0x1082  }
0x22: {  	[simem:s7], [sflag:s8] =	dma.local @!p0 [hbm:s6], $0xF7A  }
0x23: {  	s9 =	sor.u32 $0xD0000000, s2;
	s6 =	simm.s32 $0x108;
	_ =	swait.ge @!p0 [sflag:s8], $0x0  }
0x24: {  	s3 =	sadd.s32 $0x88, s3;
	s6 =	simm.s32 @!p1 $0x1082;
	[sflag:s4] =	ssyncset.s32 $0xFFFFF086  }
0x25: {  	[simem:s6], [sflag:s4] =	dma.local [hbm:s3], $0xF7A  }
0x26: {  	[smem:$0x3F90] =	sst s1;
	(tag) =	ssettag s2;
	_ =	strace s9  }
0x27: {  	s1 =	sld [smem:$0x3FA0]  }
0x28: {  	s2 =	sld [smem:$0x3FA1]  }
0x29: {  	s4 =	sld [smem:$0x3FA3]  }
0x2a: {  	p0 =	seq.s32 s5, $0x0;
	s5 =	sld [smem:$0x3FA4]  }
0x2b: {  	s6 =	sld [smem:$0x3FA5]  }
0x2c: {  	s7 =	sld [smem:$0x3FA6]  }
0x2d: {  	s3 =	simm.s32 $0x108;
	s8 =	sld [smem:$0x3FA7]  }
0x2e: {  	s3 =	simm.s32 @!p0 $0x1082;
	s9 =	sld [smem:$0x3FA8]  }
0x2f: {  	lr =	sadd.s32 s0, s3;
	s0 =	sld [smem:$0x3F9F]  }
0x30: {  	s3 =	sld [smem:$0x3FA2]  }
0x31: {  	[smem:$0x3FAB] =	sst s10  }
0x32: {  	s10 =	sld [smem:$0x3FA9];
	_ =	sdelay $0x3  }
0x33: {  	p0 =	seq.s32 s10, $0x1;
	s10 =	sld [smem:$0x3FAB];
	_ =	sdelay $0x3  }
0x34: {  	[smem:$0x3FAB] =	sst s10  }
0x35: {  	s10 =	sld [smem:$0x3FAA];
	_ =	sdelay $0x3  }
0x36: {  	p1 =	seq.s32 s10, $0x1;
	s10 =	sld [smem:$0x3FAB];
	_ =	sdelay $0x3  }
0x37: {  	[smem:$0x3FAB] =	sst s10  }
0x38: {  	s10 =	sld [smem:$0x3FAC]  }
0x39: {  	_ = 	snop;
	(pc) =	sbr.ind lr, $3  }
0x3a: {  	_ = 	snop  }
0x3b: {  	_ = 	snop  }
0x3c: {  	p2 =	seq.s32 s10, $0x1;
	s10 =	sld [smem:$0x3FAB]  }
0x3d: {  	_ =	shalt  }
0x3e: {  	_ =	shalt  }
0x3f: {  	_ =	shalt  }
0x40: {  	_ =	shalt  }
0x41: {  	_ =	shalt  }
0x42: {  	_ =	shalt  }
0x43: {  	_ =	shalt  }
0x44: {  	_ =	shalt  }
0x45: {  	_ =	shalt  }
0x46: {  	_ =	shalt  }
0x47: {  	_ =	shalt  }
0x48: {  	_ =	shalt  }
0x49: {  	_ =	shalt  }
0x4a: {  	_ =	shalt  }
0x4b: {  	_ =	shalt  }
0x4c: {  	_ =	shalt  }
0x4d: {  	_ =	shalt  }
0x4e: {  	_ =	shalt  }
0x4f: {  	_ =	shalt  }
0x50: {  	_ =	shalt  }
0x51: {  	_ =	shalt  }
0x52: {  	_ =	shalt  }
0x53: {  	_ =	shalt  }
0x54: {  	_ =	shalt  }
0x55: {  	_ =	shalt  }
0x56: {  	_ =	shalt  }
0x57: {  	_ =	shalt  }
0x58: {  	_ =	shalt  }
0x59: {  	_ =	shalt  }
0x5a: {  	_ =	shalt  }
0x5b: {  	_ =	shalt  }
0x5c: {  	_ =	shalt  }
0x5d: {  	_ =	shalt  }
0x5e: {  	_ =	shalt  }
0x5f: {  	_ =	shalt  }
0x60: {  	_ =	shalt  }
0x61: {  	_ =	shalt  }
0x62: {  	_ =	shalt  }
0x63: {  	_ =	shalt  }
0x64: {  	_ =	shalt  }
0x65: {  	_ =	shalt  }
0x66: {  	_ =	shalt  }
0x67: {  	_ =	shalt  }
0x68: {  	_ =	shalt  }
0x69: {  	_ =	shalt  }
0x6a: {  	_ =	shalt  }
0x6b: {  	_ =	shalt  }
0x6c: {  	_ =	shalt  }
0x6d: {  	_ =	shalt  }
0x6e: {  	_ =	shalt  }
0x6f: {  	_ =	shalt  }
0x70: {  	_ =	shalt  }
0x71: {  	_ =	shalt  }
0x72: {  	_ =	shalt  }
0x73: {  	_ =	shalt  }
0x74: {  	_ =	shalt  }
0x75: {  	_ =	shalt  }
0x76: {  	_ =	shalt  }
0x77: {  	_ =	shalt  }
0x78: {  	_ =	shalt  }
0x79: {  	_ =	shalt  }
0x7a: {  	_ =	shalt  }
0x7b: {  	_ =	shalt  }
0x7c: {  	_ =	shalt  }
0x7d: {  	_ =	shalt  }
0x7e: {  	_ =	shalt  }
0x7f: {  	_ =	shalt  }
0x80: {  	_ =	shalt  }
0x81: {  	_ =	shalt  }
0x82: {  	_ =	shalt  }
0x83: {  	_ =	shalt  }
0x84: {  	_ =	shalt  }
0x85: {  	_ =	shalt  }
0x86: {  	_ =	shalt  }
0x87: {  	_ =	shalt  }
.Lfunc_end0:
.L_simem_size_0:
called_computation_lowered:
.L_overlay_start_0:
0x88: {  	s2 =	sld [smem:$0x3FD9]  }
0x89: {  	s3 =	sld [smem:$0x3FFE];
	_ =	sdelay $0x1  }
0x8a: {  	s1 =	srdreg.scid  }
0x8b: {  	s0 =	sand.u32 $0x1, s1  }
0x8c: {  	s16 =	sshll.u32 s0, $0xA;
	s2 =	sadd.s32 s3, s2  }
0x8d: {  	s2 =	sadd.s32 s2, s16  }
0x8e: {  	[smem:$0x3FB7] =	sst s2  }
0x8f: {  	_ = 	snop  }
0x90: {  	(tm) =	ssettm $0x1  }
0x91: {  	s17 =	sld [smem:$0x3FFB];
	_ =	sdelay $0x3  }
0x92: {  	_ =	strace s17  }
0x93: {  	s2 =	sld [smem:$0x3FFC];
	_ =	sdelay $0x3  }
0x94: {  	_ =	strace s2  }
0x95: {  	s2 =	sld [smem:$0x3FFD];
	_ =	sdelay $0x3  }
0x96: {  	_ =	strace s2  }
0x97: {  	_ =	strace $0x8FFFFFFF  }
0x98: {  	s18 =	sld [smem:$0x3FDB];
	_ =	sdelay $0x1  }
0x99: {  	s19 =	simm.s32 $_scs_section_size  }
0x9a: {  	s4 =	simm.s32 $_size__tile_overlayer_lowered;
	s5 =	simm.s32 $_tile_overlayer_lowered  }
0x9b: {  	s22 =	simm.s32 $0x1BFF;
	s21 =	sshll.u32 s5, $0x1;
	s2 =	sadd.s32 s19, s18  }
0x9c: {  	s6 =	simm.s32 $0x0;
	s20 =	sshll.u32 s4, $0x1;
	s4 =	sadd.s32 s21, s2  }
0x9d: {  	[timem:s6], [sflag:s22] =	dma.local [hbm:s4], s20  }
0x9e: {  	_ =	swait.ge [sflag:s22], s20  }
0x9f: {  	s3 =	ssub.s32 $0x0, s20;
	[sflag:s22] =	ssyncset.done $0x0  }
0xa0: {  	[sflag:s22] =	ssyncadd.s32 s3;
	_ =	sdelay $0x1  }
0xa1: {  	s23 =	simm.s32 $0x1B8B  }
0xa2: {  	_ =	swait.ge [sflag:s23], $0x1  }
0xa3: {  	[sflag:s23] =	ssyncset.done $0x0  }
0xa4: {  	s25 =	simm.s32 $0x1B8E;
	s24 =	sld [smem:$0x3FFE];
	[sflag:s23] =	ssyncadd.s32 $0xFFFFFFFF  }
0xa5: {  	s26 =	simm.s32 $execute0_lowered;
	[smem:$0x3FD2] =	sst s25  }
0xa6: {  	s4 =	sshll.u32 s26, $0x1;
	_ =	strace $0x80000046;
	[dreg:$0x1] =	wrdreg $0xFFFFFFFF  }
0xa7: {  	s28 =	simm.s32 $_size_execute0_lowered;
	s2 =	sadd.s32 s2, s4;
	[dreg:$0x0] =	wrdreg $0x0  }
0xa8: {  	s4 =	sshll.u32 s28, $0x1;
	[dreg:$0x2] =	wrdreg s2  }
0xa9: {  	[dreg:$0x3] =	wrdreg s4  }
0xaa: {  	[dreg:$0x4] =	wrdreg $0xC0  }
0xab: {  	_ =	task [dreg:s6], $0x5FFFF  }
0xac: {  	[dreg:$0x1] =	wrdreg $0xFFFFFFFF  }
0xad: {  	[dreg:$0x0] =	wrdreg $0x60  }
0xae: {  	[dreg:$0x2] =	wrdreg s24  }
0xaf: {  	[dreg:$0x3] =	wrdreg $0xB0000  }
0xb0: {  	[dreg:$0x4] =	wrdreg $0x9  }
0xb1: {  	_ =	task.clear_ibuf [dreg:s6], $0x5FFFF;
	_ =	strace $0x90000046  }
0xb2: {  	s29 =	simm.s32 $0x9;
	_ =	strace $0x80000048  }
0xb3: {  	_ =	swait.ge [sflag:s29], $0x1  }
0xb4: {  	[sflag:s29] =	ssyncadd.s32 $0xFFFFFFFF  }
0xb5: {  	_ =	strace $0x90000048  }
0xb6: {  	_ =	sfence  }
0xb7: {  	s30 =	sld [smem:$0x0];
	_ =	sdelay $0x2  }
0xb8: {  	s31 =	sshll.u32 s1, $0xD;
	s1 =	sshrl.u32 s1, $0x2  }
0xb9: {  	s3 =	sand.u32 $0x4000, s31;
	s1 =	sadd.s32 s1, s30  }
0xba: {  	s0 =	sor.u32 s3, s0;
	s1 =	sshll.u32 s1, $0x11  }
0xbb: {  	s0 =	sor.u32 s1, s0  }
0xbc: {  	s0 =	sadd.s32 $0x8F2B, s0  }
0xbd: {  	[sflag:s0] =	ssyncadd.remote.s32 $0x1  }
0xbe: {  	_ =	sfence.sel $0xFFFF  }
0xbf: {  	[dreg:$0x0] =	wrdreg $0xFFFFFFFF;
	(pc) =	sbr.abs _section_cstart, $3  }
0xc0: {  	[dreg:$0x1] =	wrdreg $0xFFFFFFFF  }
0xc1: {  	_ =	task.clear_ibuf [dreg:s6], $0x2FFFF;
	_ =	strace $0x9FFFFFFF  }
0xc2: {  	(tm) =	ssettm $0x7FFFFFFF  }
0xc3: {  	_ =	shalt  }
tec
execute0_lowered:
.L_overlay_start_1:
0x0: {  	(tag) =	ssettag $0x1  }
0x1: {  	s6 =	rddreg [dreg:$0x0]  }
0x2: {  	s0 =	srdreg.scid;
	s2 =	rddreg [dreg:$0x1];
	s3 =	simm.s32 $0x0  }
0x3: {  	s15 =	simm.s32 $0x80;
	s16 =	simm.s32 $0x3000;
	s17 =	simm.s32 $0x7000  }
0x4: {  	s18 =	simm.s32 $0x1;
	s5 =	sand.u32 $0x1, s0;
	s0 =	stileid.u32  }
0x5: {  	s19 =	simm.s32 $0x2;
	[smem:$0x7FF] =	sst s3;
	s20 =	smul.u32 $0x2780, s0  }
0x6: {  	s4 =	sadd.s32 $0x1B200, s6;
	s1 =	sshll.u32 s5, $0x4;
	s8 =	smul.u32 $0x27800, s5  }
0x7: {  	s9 =	smul.u32 $0x4F000, s0;
	s5 =	ssub.s32 $0x2, s5;
	s1 =	sor.u32 s0, s1  }
0x8: {  	s31 =	sshll.u32 s0, $0x6;
	s28 =	sshrl.u32 s5, $0x1;
	s7 =	smul.u32 $0x600, s1  }
0x9: {  	s1 =	rddreg [dreg:$0x2];
	_ =	strace $0x80000047;
	s26 =	sadd.s32 s20, s6  }
0xa: {  	s11 =	sadd.s32 s8, s6;
	s29 =	sshrl.u32 s9, $0x2;
	s30 =	ssub.s32 s5, s28  }
0xb: {  	s12 =	sadd.s32 s29, s2;
	s5 =	sadd.s32 $0x42400, s26;
	s21 =	sadd.s32 $0x69C00, s11  }
0xc: {  	s9 =	smax.u32 s30, $0x1;
	s11 =	simm.s32 $0x4;
	s10 =	sadd.s32 s7, s6  }
0xd: {  	s6 =	sor.u32 $0x1C04, s31;
	s20 =	sadd.s32 s20, s21;
	s21 =	simm.s32 $0x0  }
0xe: {  	s7 =	sadd.s32 $0x3200, s10;
	s8 =	sadd.s32 $0xF200, s10;
	s10 =	sshrl.u32 s12, $0x3  }
0xf: {  	s12 =	simm.s32 $0x1800;
	s13 =	sadd.s32 $0x180, s7;
	s14 =	sadd.s32 $0x180, s8  }
.LBB2_1:
0x10: {  	[spmem:s10], [sflag:s6] =	dma.local [hbm:s5], $0x2780  }
0x11: {  	_ =	swait.ge [sflag:s11], $0x2780  }
0x12: {  	[sflag:s11] =	ssyncset.done $0x0  }
0x13: {  	[sflag:s11] =	ssyncadd.s32 $0xFFFFD880  }
0x14: {  	[bflag:$0x0] =	sbarrier.arrive $0xFFFF  }
0x15: {  	[tilespmem:s3], [sflag:$0x4] =	stream.linear.gather [hbm4b:s7+s3], $0xA00, $0x38;
	[tilespmem:$0x1EC00] =	vst v63  }
0x16: {  	_ =	swait.ge [sflag:s11], $0xA00  }
0x17: {  	[sflag:s11] =	ssyncset.done $0x0  }
0x18: {  	[sflag:s11] =	ssyncadd.s32 $0xFFFFF600  }
0x19: {  	[tilespmem:s12], [sflag:$0x4] =	stream.linear.gather [hbm4b:s8+s3], $0xA00, $0x38;
	[tilespmem:$0x1EC00] =	vst v63  }
0x1a: {  	_ =	swait.ge [sflag:s11], $0xA00  }
0x1b: {  	s22 =	smov.u32 s14;
	[sflag:s11] =	ssyncset.done $0x0  }
0x1c: {  	s23 =	smov.u32 s13;
	s25 =	simm.s32 $0x0;
	[sflag:s11] =	ssyncadd.s32 $0xFFFFF600  }
.LBB2_2:
0x1d: {  	s24 =	sadd.s32 $0x1, s25;
	p0 =	seq.s32 s25, $0x3  }
0x1e: {  	s26 =	sand.u32 @!p0 $0x1, s24  }
0x1f: {  	p1 =	seq.s32 @!p0 s26, $0x1  }
0x20: {  	s26 =	simm.s32 @!p0 $0xC00;
	p1 =	por !p1, p0  }
0x21: {  	s29 =	sand.u32 $0x1, s25;
	s28 =	simm.s32 @!p0 $0x0;
	s26 =	simm.s32 @p1 $0x0  }
0x22: {  	[tilespmem:s26], [sflag:$0x3] =	stream.linear.gather @!p0 [hbm4b:s23+s28], $0xA00, $0x38;
	[tilespmem:$0x1EC00] =	vst v63  }
0x23: {  	s25 =	simm.s32 $0xC00;
	p1 =	seq.s32 s29, $0x1;
	s26 =	sadd.s32 @!p0 $0x1800, s26  }
0x24: {  	[tilespmem:s26], [sflag:$0x3] =	stream.linear.gather @!p0 [hbm4b:s22+s28], $0xA00, $0x38;
	[tilespmem:$0x1EC00] =	vst v63  }
0x25: {  	s25 =	simm.s32 @!p1 $0x0  }
0x26: {  	[tilespmem:s16], [sflag:$0x1] =	stream.indirect.gather [hbm4b:s4+s15], $0x80, s25, s15, $0xb8;
	[tilespmem:$0x1EC00] =	vst v63  }
0x27: {  	s30 =	sor.u32 $0x80, s25  }
0x28: {  	[tilespmem:s17], [sflag:$0x2] =	stream.indirect.gather [hbm4b:s4+s15], $0x80, s30, s15, $0xb8;
	[tilespmem:$0x1EC00] =	vst v63  }
0x29: {  	_ =	swait.ge [sflag:s18], $0x4000  }
0x2a: {  	[sflag:s18] =	ssyncset.done $0x0  }
0x2b: {  	s31 =	sadd.s32 $0x1800, s25;
	[sflag:s18] =	ssyncadd.s32 $0xFFFFC000  }
0x2c: {  	[spmem:s2] =	stream.indirect.scatter.add.f32 [tilespmem:s16], [sflag:$0x4], $0x80, s31, s15, $0xb8;
	[tilespmem:$0x1EC00] =	vst v63  }
0x2d: {  	_ =	swait.ge [sflag:s11], $0x4000  }
0x2e: {  	[sflag:s11] =	ssyncset.done $0x0  }
0x2f: {  	s28 =	sor.u32 $0x100, s25;
	[sflag:s11] =	ssyncadd.s32 $0xFFFFC000  }
0x30: {  	[tilespmem:s16], [sflag:$0x1] =	stream.indirect.gather [hbm4b:s4+s15], $0x80, s28, s15, $0xb8;
	[tilespmem:$0x1EC00] =	vst v63  }
0x31: {  	_ =	swait.ge [sflag:s19], $0x4000  }
0x32: {  	[sflag:s19] =	ssyncset.done $0x0  }
0x33: {  	s29 =	sadd.s32 $0x1880, s25;
	[sflag:s19] =	ssyncadd.s32 $0xFFFFC000  }
0x34: {  	[spmem:s2] =	stream.indirect.scatter.add.f32 [tilespmem:s17], [sflag:$0x4], $0x80, s29, s15, $0xb8;
	[tilespmem:$0x1EC00] =	vst v63  }
0x35: {  	_ =	swait.ge [sflag:s11], $0x4000  }
0x36: {  	[sflag:s11] =	ssyncset.done $0x0  }
0x37: {  	s30 =	sor.u32 $0x180, s25;
	[sflag:s11] =	ssyncadd.s32 $0xFFFFC000  }
0x38: {  	[tilespmem:s17], [sflag:$0x2] =	stream.indirect.gather [hbm4b:s4+s15], $0x80, s30, s15, $0xb8;
	[tilespmem:$0x1EC00] =	vst v63  }
0x39: {  	_ =	swait.ge [sflag:s18], $0x4000  }
0x3a: {  	[sflag:s18] =	ssyncset.done $0x0  }
0x3b: {  	s31 =	sadd.s32 $0x1900, s25;
	[sflag:s18] =	ssyncadd.s32 $0xFFFFC000  }
0x3c: {  	[spmem:s2] =	stream.indirect.scatter.add.f32 [tilespmem:s16], [sflag:$0x4], $0x80, s31, s15, $0xb8;
	[tilespmem:$0x1EC00] =	vst v63  }
0x3d: {  	_ =	swait.ge [sflag:s11], $0x4000  }
0x3e: {  	[sflag:s11] =	ssyncset.done $0x0  }
0x3f: {  	s28 =	sor.u32 $0x200, s25;
	[sflag:s11] =	ssyncadd.s32 $0xFFFFC000  }
0x40: {  	[tilespmem:s16], [sflag:$0x1] =	stream.indirect.gather [hbm4b:s4+s15], $0x80, s28, s15, $0xb8;
	[tilespmem:$0x1EC00] =	vst v63  }
0x41: {  	_ =	swait.ge [sflag:s19], $0x4000  }
0x42: {  	[sflag:s19] =	ssyncset.done $0x0  }
0x43: {  	s29 =	sadd.s32 $0x1980, s25;
	[sflag:s19] =	ssyncadd.s32 $0xFFFFC000  }
0x44: {  	[spmem:s2] =	stream.indirect.scatter.add.f32 [tilespmem:s17], [sflag:$0x4], $0x80, s29, s15, $0xb8;
	[tilespmem:$0x1EC00] =	vst v63  }
0x45: {  	_ =	swait.ge [sflag:s11], $0x4000  }
0x46: {  	[sflag:s11] =	ssyncset.done $0x0  }
0x47: {  	s30 =	sor.u32 $0x280, s25;
	[sflag:s11] =	ssyncadd.s32 $0xFFFFC000  }
0x48: {  	[tilespmem:s17], [sflag:$0x2] =	stream.indirect.gather [hbm4b:s4+s15], $0x80, s30, s15, $0xb8;
	[tilespmem:$0x1EC00] =	vst v63  }
0x49: {  	_ =	swait.ge [sflag:s18], $0x4000  }
0x4a: {  	[sflag:s18] =	ssyncset.done $0x0  }
0x4b: {  	s31 =	sadd.s32 $0x1A00, s25;
	[sflag:s18] =	ssyncadd.s32 $0xFFFFC000  }
0x4c: {  	[spmem:s2] =	stream.indirect.scatter.add.f32 [tilespmem:s16], [sflag:$0x4], $0x80, s31, s15, $0xb8;
	[tilespmem:$0x1EC00] =	vst v63  }
0x4d: {  	_ =	swait.ge [sflag:s11], $0x4000  }
0x4e: {  	[sflag:s11] =	ssyncset.done $0x0  }
0x4f: {  	s28 =	sor.u32 $0x300, s25;
	[sflag:s11] =	ssyncadd.s32 $0xFFFFC000  }
0x50: {  	[tilespmem:s16], [sflag:$0x1] =	stream.indirect.gather [hbm4b:s4+s15], $0x80, s28, s15, $0xb8;
	[tilespmem:$0x1EC00] =	vst v63  }
0x51: {  	_ =	swait.ge [sflag:s19], $0x4000  }
0x52: {  	[sflag:s19] =	ssyncset.done $0x0  }
0x53: {  	s29 =	sadd.s32 $0x1A80, s25;
	[sflag:s19] =	ssyncadd.s32 $0xFFFFC000  }
0x54: {  	[spmem:s2] =	stream.indirect.scatter.add.f32 [tilespmem:s17], [sflag:$0x4], $0x80, s29, s15, $0xb8;
	[tilespmem:$0x1EC00] =	vst v63  }
0x55: {  	_ =	swait.ge [sflag:s11], $0x4000  }
0x56: {  	[sflag:s11] =	ssyncset.done $0x0  }
0x57: {  	s30 =	sor.u32 $0x380, s25;
	[sflag:s11] =	ssyncadd.s32 $0xFFFFC000  }
0x58: {  	[tilespmem:s17], [sflag:$0x2] =	stream.indirect.gather [hbm4b:s4+s15], $0x80, s30, s15, $0xb8;
	[tilespmem:$0x1EC00] =	vst v63  }
0x59: {  	_ =	swait.ge [sflag:s18], $0x4000  }
0x5a: {  	[sflag:s18] =	ssyncset.done $0x0  }
0x5b: {  	s31 =	sadd.s32 $0x1B00, s25;
	[sflag:s18] =	ssyncadd.s32 $0xFFFFC000  }
0x5c: {  	[spmem:s2] =	stream.indirect.scatter.add.f32 [tilespmem:s16], [sflag:$0x4], $0x80, s31, s15, $0xb8;
	[tilespmem:$0x1EC00] =	vst v63  }
0x5d: {  	_ =	swait.ge [sflag:s11], $0x4000  }
0x5e: {  	[sflag:s11] =	ssyncset.done $0x0  }
0x5f: {  	s28 =	sadd.s32 $0x400, s25;
	[sflag:s11] =	ssyncadd.s32 $0xFFFFC000  }
0x60: {  	[tilespmem:s16], [sflag:$0x1] =	stream.indirect.gather [hbm4b:s4+s15], $0x80, s28, s15, $0xb8;
	[tilespmem:$0x1EC00] =	vst v63  }
0x61: {  	_ =	swait.ge [sflag:s19], $0x4000  }
0x62: {  	[sflag:s19] =	ssyncset.done $0x0  }
0x63: {  	s29 =	sadd.s32 $0x1B80, s25;
	[sflag:s19] =	ssyncadd.s32 $0xFFFFC000  }
0x64: {  	[spmem:s2] =	stream.indirect.scatter.add.f32 [tilespmem:s17], [sflag:$0x4], $0x80, s29, s15, $0xb8;
	[tilespmem:$0x1EC00] =	vst v63  }
0x65: {  	_ =	swait.ge [sflag:s11], $0x4000  }
0x66: {  	[sflag:s11] =	ssyncset.done $0x0  }
0x67: {  	s30 =	sadd.s32 $0x480, s25;
	[sflag:s11] =	ssyncadd.s32 $0xFFFFC000  }
0x68: {  	[tilespmem:s17], [sflag:$0x2] =	stream.indirect.gather [hbm4b:s4+s15], $0x80, s30, s15, $0xb8;
	[tilespmem:$0x1EC00] =	vst v63  }
0x69: {  	_ =	swait.ge [sflag:s18], $0x4000  }
0x6a: {  	[sflag:s18] =	ssyncset.done $0x0  }
0x6b: {  	s31 =	sadd.s32 $0x1C00, s25;
	[sflag:s18] =	ssyncadd.s32 $0xFFFFC000  }
0x6c: {  	[spmem:s2] =	stream.indirect.scatter.add.f32 [tilespmem:s16], [sflag:$0x4], $0x80, s31, s15, $0xb8;
	[tilespmem:$0x1EC00] =	vst v63  }
0x6d: {  	_ =	swait.ge [sflag:s11], $0x4000  }
0x6e: {  	[sflag:s11] =	ssyncset.done $0x0  }
0x6f: {  	s28 =	sadd.s32 $0x500, s25;
	[sflag:s11] =	ssyncadd.s32 $0xFFFFC000  }
0x70: {  	[tilespmem:s16], [sflag:$0x1] =	stream.indirect.gather [hbm4b:s4+s15], $0x80, s28, s15, $0xb8;
	[tilespmem:$0x1EC00] =	vst v63  }
0x71: {  	_ =	swait.ge [sflag:s19], $0x4000  }
0x72: {  	[sflag:s19] =	ssyncset.done $0x0  }
0x73: {  	s29 =	sadd.s32 $0x1C80, s25;
	[sflag:s19] =	ssyncadd.s32 $0xFFFFC000  }
0x74: {  	[spmem:s2] =	stream.indirect.scatter.add.f32 [tilespmem:s17], [sflag:$0x4], $0x80, s29, s15, $0xb8;
	[tilespmem:$0x1EC00] =	vst v63  }
0x75: {  	_ =	swait.ge [sflag:s11], $0x4000  }
0x76: {  	[sflag:s11] =	ssyncset.done $0x0  }
0x77: {  	s30 =	sadd.s32 $0x580, s25;
	[sflag:s11] =	ssyncadd.s32 $0xFFFFC000  }
0x78: {  	[tilespmem:s17], [sflag:$0x2] =	stream.indirect.gather [hbm4b:s4+s15], $0x80, s30, s15, $0xb8;
	[tilespmem:$0x1EC00] =	vst v63  }
0x79: {  	_ =	swait.ge [sflag:s18], $0x4000  }
0x7a: {  	[sflag:s18] =	ssyncset.done $0x0  }
0x7b: {  	s31 =	sadd.s32 $0x1D00, s25;
	[sflag:s18] =	ssyncadd.s32 $0xFFFFC000  }
0x7c: {  	[spmem:s2] =	stream.indirect.scatter.add.f32 [tilespmem:s16], [sflag:$0x4], $0x80, s31, s15, $0xb8;
	[tilespmem:$0x1EC00] =	vst v63  }
0x7d: {  	_ =	swait.ge [sflag:s11], $0x4000  }
0x7e: {  	[sflag:s11] =	ssyncset.done $0x0  }
0x7f: {  	s28 =	sadd.s32 $0x600, s25;
	[sflag:s11] =	ssyncadd.s32 $0xFFFFC000  }
0x80: {  	[tilespmem:s16], [sflag:$0x1] =	stream.indirect.gather [hbm4b:s4+s15], $0x80, s28, s15, $0xb8;
	[tilespmem:$0x1EC00] =	vst v63  }
0x81: {  	_ =	swait.ge [sflag:s19], $0x4000  }
0x82: {  	[sflag:s19] =	ssyncset.done $0x0  }
0x83: {  	s29 =	sadd.s32 $0x1D80, s25;
	[sflag:s19] =	ssyncadd.s32 $0xFFFFC000  }
0x84: {  	[spmem:s2] =	stream.indirect.scatter.add.f32 [tilespmem:s17], [sflag:$0x4], $0x80, s29, s15, $0xb8;
	[tilespmem:$0x1EC00] =	vst v63  }
0x85: {  	_ =	swait.ge [sflag:s11], $0x4000  }
0x86: {  	[sflag:s11] =	ssyncset.done $0x0  }
0x87: {  	s30 =	sadd.s32 $0x680, s25;
	[sflag:s11] =	ssyncadd.s32 $0xFFFFC000  }
0x88: {  	[tilespmem:s17], [sflag:$0x2] =	stream.indirect.gather [hbm4b:s4+s15], $0x80, s30, s15, $0xb8;
	[tilespmem:$0x1EC00] =	vst v63  }
0x89: {  	_ =	swait.ge [sflag:s18], $0x4000  }
0x8a: {  	[sflag:s18] =	ssyncset.done $0x0  }
0x8b: {  	s31 =	sadd.s32 $0x1E00, s25;
	[sflag:s18] =	ssyncadd.s32 $0xFFFFC000  }
0x8c: {  	[spmem:s2] =	stream.indirect.scatter.add.f32 [tilespmem:s16], [sflag:$0x4], $0x80, s31, s15, $0xb8;
	[tilespmem:$0x1EC00] =	vst v63  }
0x8d: {  	_ =	swait.ge [sflag:s11], $0x4000  }
0x8e: {  	[sflag:s11] =	ssyncset.done $0x0  }
0x8f: {  	s28 =	sadd.s32 $0x700, s25;
	[sflag:s11] =	ssyncadd.s32 $0xFFFFC000  }
0x90: {  	[tilespmem:s16], [sflag:$0x1] =	stream.indirect.gather [hbm4b:s4+s15], $0x80, s28, s15, $0xb8;
	[tilespmem:$0x1EC00] =	vst v63  }
0x91: {  	_ =	swait.ge [sflag:s19], $0x4000  }
0x92: {  	[sflag:s19] =	ssyncset.done $0x0  }
0x93: {  	s29 =	sadd.s32 $0x1E80, s25;
	[sflag:s19] =	ssyncadd.s32 $0xFFFFC000  }
0x94: {  	[spmem:s2] =	stream.indirect.scatter.add.f32 [tilespmem:s17], [sflag:$0x4], $0x80, s29, s15, $0xb8;
	[tilespmem:$0x1EC00] =	vst v63  }
0x95: {  	_ =	swait.ge [sflag:s11], $0x4000  }
0x96: {  	[sflag:s11] =	ssyncset.done $0x0  }
0x97: {  	s30 =	sadd.s32 $0x780, s25;
	[sflag:s11] =	ssyncadd.s32 $0xFFFFC000  }
0x98: {  	[tilespmem:s17], [sflag:$0x2] =	stream.indirect.gather [hbm4b:s4+s15], $0x80, s30, s15, $0xb8;
	[tilespmem:$0x1EC00] =	vst v63  }
0x99: {  	_ =	swait.ge [sflag:s18], $0x4000  }
0x9a: {  	[sflag:s18] =	ssyncset.done $0x0  }
0x9b: {  	s31 =	sadd.s32 $0x1F00, s25;
	[sflag:s18] =	ssyncadd.s32 $0xFFFFC000  }
0x9c: {  	[spmem:s2] =	stream.indirect.scatter.add.f32 [tilespmem:s16], [sflag:$0x4], $0x80, s31, s15, $0xb8;
	[tilespmem:$0x1EC00] =	vst v63  }
0x9d: {  	_ =	swait.ge [sflag:s11], $0x4000  }
0x9e: {  	[sflag:s11] =	ssyncset.done $0x0  }
0x9f: {  	s28 =	sadd.s32 $0x800, s25;
	[sflag:s11] =	ssyncadd.s32 $0xFFFFC000  }
0xa0: {  	[tilespmem:s16], [sflag:$0x1] =	stream.indirect.gather [hbm4b:s4+s15], $0x80, s28, s15, $0xb8;
	[tilespmem:$0x1EC00] =	vst v63  }
0xa1: {  	_ =	swait.ge [sflag:s19], $0x4000  }
0xa2: {  	[sflag:s19] =	ssyncset.done $0x0  }
0xa3: {  	s29 =	sadd.s32 $0x1F80, s25;
	[sflag:s19] =	ssyncadd.s32 $0xFFFFC000  }
0xa4: {  	[spmem:s2] =	stream.indirect.scatter.add.f32 [tilespmem:s17], [sflag:$0x4], $0x80, s29, s15, $0xb8;
	[tilespmem:$0x1EC00] =	vst v63  }
0xa5: {  	_ =	swait.ge [sflag:s11], $0x4000  }
0xa6: {  	[sflag:s11] =	ssyncset.done $0x0  }
0xa7: {  	s30 =	sadd.s32 $0x880, s25;
	[sflag:s11] =	ssyncadd.s32 $0xFFFFC000  }
0xa8: {  	[tilespmem:s17], [sflag:$0x2] =	stream.indirect.gather [hbm4b:s4+s15], $0x80, s30, s15, $0xb8;
	[tilespmem:$0x1EC00] =	vst v63  }
0xa9: {  	_ =	swait.ge [sflag:s18], $0x4000  }
0xaa: {  	[sflag:s18] =	ssyncset.done $0x0  }
0xab: {  	s31 =	sor.u32 $0x2000, s25;
	[sflag:s18] =	ssyncadd.s32 $0xFFFFC000  }
0xac: {  	[spmem:s2] =	stream.indirect.scatter.add.f32 [tilespmem:s16], [sflag:$0x4], $0x80, s31, s15, $0xb8;
	[tilespmem:$0x1EC00] =	vst v63  }
0xad: {  	_ =	swait.ge [sflag:s11], $0x4000  }
0xae: {  	[sflag:s11] =	ssyncset.done $0x0  }
0xaf: {  	s28 =	sadd.s32 $0x900, s25;
	[sflag:s11] =	ssyncadd.s32 $0xFFFFC000  }
0xb0: {  	[tilespmem:s16], [sflag:$0x1] =	stream.indirect.gather [hbm4b:s4+s15], $0x80, s28, s15, $0xb8;
	[tilespmem:$0x1EC00] =	vst v63  }
0xb1: {  	_ =	swait.ge [sflag:s19], $0x4000  }
0xb2: {  	[sflag:s19] =	ssyncset.done $0x0  }
0xb3: {  	s29 =	sor.u32 $0x2080, s25;
	[sflag:s19] =	ssyncadd.s32 $0xFFFFC000  }
0xb4: {  	[spmem:s2] =	stream.indirect.scatter.add.f32 [tilespmem:s17], [sflag:$0x4], $0x80, s29, s15, $0xb8;
	[tilespmem:$0x1EC00] =	vst v63  }
0xb5: {  	_ =	swait.ge [sflag:s11], $0x4000  }
0xb6: {  	[sflag:s11] =	ssyncset.done $0x0  }
0xb7: {  	s30 =	sadd.s32 $0x980, s25;
	[sflag:s11] =	ssyncadd.s32 $0xFFFFC000  }
0xb8: {  	[tilespmem:s17], [sflag:$0x2] =	stream.indirect.gather [hbm4b:s4+s15], $0x80, s30, s15, $0xb8;
	[tilespmem:$0x1EC00] =	vst v63  }
0xb9: {  	_ =	swait.ge [sflag:s18], $0x4000  }
0xba: {  	[sflag:s18] =	ssyncset.done $0x0  }
0xbb: {  	s31 =	sor.u32 $0x2100, s25;
	[sflag:s18] =	ssyncadd.s32 $0xFFFFC000  }
0xbc: {  	[spmem:s2] =	stream.indirect.scatter.add.f32 [tilespmem:s16], [sflag:$0x4], $0x80, s31, s15, $0xb8;
	[tilespmem:$0x1EC00] =	vst v63  }
0xbd: {  	_ =	swait.ge [sflag:s11], $0x4000  }
0xbe: {  	[sflag:s11] =	ssyncset.done $0x0  }
0xbf: {  	[sflag:s11] =	ssyncadd.s32 $0xFFFFC000  }
0xc0: {  	_ =	swait.ge [sflag:s19], $0x4000  }
0xc1: {  	[sflag:s19] =	ssyncset.done $0x0  }
0xc2: {  	s25 =	sor.u32 $0x2180, s25;
	[sflag:s19] =	ssyncadd.s32 $0xFFFFC000  }
0xc3: {  	[spmem:s2] =	stream.indirect.scatter.add.f32 [tilespmem:s17], [sflag:$0x4], $0x80, s25, s15, $0xb8;
	[tilespmem:$0x1EC00] =	vst v63  }
0xc4: {  	_ =	swait.ge [sflag:s11], $0x4000  }
0xc5: {  	[sflag:s11] =	ssyncset.done $0x0  }
0xc6: {  	p1 =	sne.s32 @!p0 s24, $0x4;
	s25 =	simm.s32 @!p0 $0x3;
	[sflag:s11] =	ssyncadd.s32 $0xFFFFC000  }
0xc7: {  	p1 =	por p0, !p1;
	_ =	swait.ge @!p0 [sflag:s25], $0xA00  }
.Ltmp0:
0xc8: {  	[sflag:s25] =	ssyncset.done @!p0 $0x0;
	(pc) =	sbr.rel @!p1 .LBB2_2-.Ltmp0, $4  }
0xc9: {  	[sflag:s25] =	ssyncadd.s32 @!p0 $0xFFFFF600  }
0xca: {  	_ =	swait.ge @!p0 [sflag:s25], $0xA00  }
0xcb: {  	s23 =	sadd.s32 @!p0 $0x180, s23;
	[sflag:s25] =	ssyncset.done @!p0 $0x0  }
0xcc: {  	s22 =	sadd.s32 @!p0 $0x180, s22;
	[sflag:s25] =	ssyncadd.s32 @!p0 $0xFFFFF600;
	s25 =	smov.u32 s24  }
0xcd: {  	s21 =	sadd.s32 $0x1, s21  }
0xce: {  	p0 =	sne.s32 s21, s9  }
.Ltmp1:
0xcf: {  	[bflag:$0x0] =	sbarrier.arrive $0xFFFF;
	(pc) =	sbr.rel @p0 .LBB2_1-.Ltmp1, $4  }
0xd0: {  	[hbm:s20], [sflag:s6] =	dma.local [spmem:s10], $0x2780  }
0xd1: {  	_ =	swait.ge [sflag:s11], $0x2780  }
0xd2: {  	[sflag:s11] =	ssyncset.done $0x0  }
0xd3: {  	[sflag:s11] =	ssyncadd.s32 $0xFFFFD880  }
0xd4: {  	_ =	sfence.sel $0x180000  }
0xd5: {  	[bflag:$0x0] =	sbarrier.arrive $0xFFFF  }
0xd6: {  	p0 =	sne.s32 s0, $0x0;
	_ =	strace $0x90000047  }
0xd7: {  	s0 =	sadd.s32 @!p0 $0x100000, s1;
	[bflag:$0x2] =	sbarrier.arrive $0xFFFF  }
0xd8: {  	[sflag:s0] =	ssyncadd.tile.s32 @!p0 $0x1;
	_ =	shalt  }
.Lfunc_end2:
_tile_overlayer_lowered:
.L_overlay_start_2:
0xd9: {  	(tag) =	ssettag $0x2  }
0xda: {  	s0 =	rddreg [dreg:$0x0];
	s2 =	stileid.u32  }
0xdb: {  	s1 =	rddreg [dreg:$0x1];
	p0 =	sne.s32 s2, $0x0  }
0xdc: {  	s3 =	rddreg [dreg:$0x2];
	[bflag:$0x3] =	sbarrier.arrive $0xFFFF;
	s2 =	simm.s32 @!p0 $0x1C04  }
0xdd: {  	[timem:s3], [sflag:s2] =	dma.local @!p0 [hbm:s0], s1  }
0xde: {  	s0 =	simm.s32 @!p0 $0x4  }
0xdf: {  	_ =	swait.ge @!p0 [sflag:s0], s1  }
0xe0: {  	s1 =	ssub.s32 @!p0 $0x0, s1;
	[sflag:s0] =	ssyncset.done @!p0 $0x0  }
0xe1: {  	[sflag:s0] =	ssyncadd.s32 @!p0 s1  }
0xe2: {  	[bflag:$0x3] =	sbarrier.arrive $0xFFFF  }
0xe3: {  	_ =	shalt  }

</sc_bundles>
